<compile_context>
chip_gen: v7x
topology: tpu7x:2x2x1
jax: 0.10.2.dev20260603
libtpu: 0.0.44.dev20260713+nightly
codegen_flags: <defaults>
</compile_context>

<pallas_src>
import jax
import jax.numpy as jnp
from jax import lax
from jax.experimental import pallas as pl
from jax.experimental.pallas import tpu as pltpu
from jax.experimental.pallas import tpu_sc as plsc

NT, NB, NF = 4096, 16, 5
NS = 2048
SHARP = 1.0

PAD = 16
LOCAL = 1040
NCHUNK = LOCAL // 16
BUF = PAD + LOCAL
HSHIFT = 1024

_Q = (0.04154804794872008, -0.15783212901241583, 0.30655690330493357,
      -0.4970298127829451, 0.9999449263751027)

_NEG = -1.0e30


def _ctc_body(x_hbm, i4_hbm, seqv_hbm, seqlens_hbm, out_hbm,
              xv, xdv, i4v, sqf, fa, fb, slv, outv, spm):
    c = lax.axis_index("c")
    s = lax.axis_index("s")
    h = jnp.bitwise_and(s, 1)
    p = lax.shift_right_logical(s, 1)
    b = c * 8 + p

    pltpu.sync_copy(x_hbm.at[b], xv)
    pltpu.sync_copy(i4_hbm, i4v)
    pltpu.sync_copy(seqv_hbm.at[b], sqf)
    hoff = h * HSHIFT
    pltpu.sync_copy(seqlens_hbm, slv)

    @plsc.parallel_loop(0, NT * NF, 16, unroll=4,
                        carry=jnp.zeros((16,), jnp.float32))
    def _pre(j, acc):
        x4g = plsc.load_gather(xv, [i4v[pl.ds(j, 16)]])
        xdv[pl.ds(j, 16)] = xv[pl.ds(j, 16)] - x4g
        return acc + x4g

    s4 = jnp.sum(_pre, axis=0) * jnp.float32(0.2)

    neg = jnp.full((16,), _NEG, jnp.float32)
    for cc in range(BUF // 16):
        fa[pl.ds(cc * 16, 16)] = neg
        fb[pl.ds(cc * 16, 16)] = neg

    @pl.when(h == 0)
    def _init0():
        fa[pl.ds(PAD, 16)] = jnp.where(lax.iota(jnp.int32, 16) == 0, 0.0, _NEG)

    def one_step(t, src, dst):
        t5 = jnp.full((16,), t * NF, jnp.int32)

        @plsc.parallel_loop(0, LOCAL, 16, unroll=4)
        def _chunk(base):
            idx = sqf[pl.ds(hoff + base, 16)] + t5
            gx = plsc.load_gather(xdv, [idx])
            prev_s = src[pl.ds(base + PAD - 1, 16)]
            prev_a = src[pl.ds(base + PAD, 16)]
            a = gx + prev_s
            m = jnp.maximum(a, prev_a)
            d = jnp.minimum(a, prev_a) - m
            z = jnp.exp(d)
            q = jnp.full((16,), _Q[0], jnp.float32)
            for coef in _Q[1:]:
                q = q * z + coef
            dst[pl.ds(base + PAD, 16)] = m + z * q

    def two_steps(i, _):
        @pl.when(jnp.bitwise_and(i, 7) == 0)
        def _exchange():
            slot = jnp.bitwise_and(lax.shift_right_logical(i, 3), 1)

            @pl.when(h == 0)
            def _send():
                pltpu.sync_copy(fa.at[pl.ds(PAD + HSHIFT, 16)], spm.at[b, slot])

            plsc.subcore_barrier()

            @pl.when(h == 1)
            def _recv():
                pltpu.sync_copy(spm.at[b, slot], fa.at[pl.ds(PAD, 16)])

        one_step(2 * i, fa, fb)
        one_step(2 * i + 1, fb, fa)
        return 0

    lax.fori_loop(0, NT // 2, two_steps, 0)

    bidx = jnp.full((16,), b, jnp.int32)
    slvec = plsc.load_gather(slv, [bidx])
    sl = lax.reduce_max(slvec, (0,))
    lidx = jnp.clip(slvec - h * HSHIFT, 0, LOCAL - 1) + PAD
    fin = plsc.load_gather(fa, [lidx])
    mine = jnp.logical_or(
        jnp.logical_and(h == 0, sl < HSHIFT + 16),
        jnp.logical_and(h == 1, sl >= HSHIFT + 16))

    @pl.when(mine)
    def _emit():
        outv[pl.ds(0, 16)] = (fin + s4) * (-1.0 / (NT * SHARP))
        pltpu.sync_copy(outv, out_hbm.at[b])


@jax.jit
def _ctc_sc(xb, i4, seqv, seqlens):
    mesh = plsc.VectorSubcoreMesh(core_axis_name="c", subcore_axis_name="s",
                                  num_cores=2, num_subcores=16)
    f = pl.kernel(
        _ctc_body,
        out_type=jax.ShapeDtypeStruct((NB, 128), jnp.float32),
        mesh=mesh,
        compiler_params=pltpu.CompilerParams(needs_layout_passes=False),
        scratch_types=[
            pltpu.VMEM((NT * NF,), jnp.float32),
            pltpu.VMEM((NT * NF,), jnp.float32),
            pltpu.VMEM((NT * NF,), jnp.int32),
            pltpu.VMEM((HSHIFT + LOCAL,), jnp.int32),
            pltpu.VMEM((BUF,), jnp.float32),
            pltpu.VMEM((BUF,), jnp.float32),
            pltpu.VMEM((16,), jnp.int32),
            pltpu.VMEM((128,), jnp.float32),
            pltpu.VMEM_SHARED((16, 2, 16), jnp.float32),
        ],
    )
    return f(xb, i4, seqv, seqlens)


def kernel(x, seqs, seqlens):
    nt, nb, nf = x.shape
    assert (nt, nb, nf) == (NT, NB, NF)
    xb = jnp.transpose(x, (1, 0, 2)).reshape(NB, NT * NF)
    i4 = (jnp.arange(NT * NF, dtype=jnp.int32) // NF) * NF + (NF - 1)
    seqv = jnp.concatenate(
        [jnp.zeros((NB, 1), jnp.int32), seqs.astype(jnp.int32),
         jnp.zeros((NB, HSHIFT + LOCAL - 1 - NS), jnp.int32)], axis=1)
    out = _ctc_sc(xb, i4, seqv, seqlens.astype(jnp.int32))
    return out[:, :1]

# --- scband reference (transcript-rebuilt; emitter-appended) ---
"""Pipeline reference for scband-ctcloss-13804024889448 (READ-ONLY COPY).

The authoritative reference and input builder live on the scoring server;
editing this copy changes nothing except your own understanding.
"""

import jax, jax.numpy as jnp
import numpy as np
from jax import lax

SHARP = 1.0
NT, NB, NF = 4096, 16, 5
NS = 2048

def setup_inputs(seed: int = 0) -> dict:
    key = jax.random.key(seed)
    k1, k2, k3 = jax.random.split(key, 3)
    x = jax.random.normal(k1, (NT, NB, NF), dtype=jnp.float32)
    seqs = jax.random.randint(k2, (NB, NS), 0, 4, dtype=jnp.int64) if jax.config.jax_enable_x64 else jax.random.randint(k2, (NB, NS), 0, 4, dtype=jnp.int32)
    seqlens = jax.random.randint(k3, (NB,), 0, NS + 1, dtype=jnp.int32)
    return {"x": x, "seqs": seqs, "seqlens": seqlens}

def reference(x, seqs, seqlens):
    nt, nb, nf = x.shape
    nbs, ns = seqs.shape
    assert nf == 5
    assert nbs == nb
    assert seqlens.shape[0] == nb

    fwd0 = jnp.full((nb, ns + 1), -1e30, dtype=x.dtype)
    fwd0 = fwd0.at[:, 0].set(0.0)

    def step(prev, xt):
        xt = xt * SHARP
        score = xt[:, 4][:, None] + prev
        move_score = jnp.take_along_axis(xt, seqs, axis=1) + prev[:, :-1]
        score = score.at[:, 1:].set(jnp.logaddexp(move_score, score[:, 1:]))
        return score, None

    fwd, _ = lax.scan(step, fwd0, x)
    out = -jnp.take_along_axis(fwd, seqlens[:, None], axis=1) / (nt * SHARP)
    return out

if __name__ == "__main__":
    import jax
    _d = setup_inputs()
    print(jax.jit(kernel)(*tuple(_d.values())))

</pallas_src>

<mosaic_0001>
#map = affine_map<(d0, d1) -> (0, 0)>
#map1 = affine_map<(d0, d1) -> (0)>
module attributes {stable_mosaic.version = 14 : i64} {
  func.func @_ctc_body(%arg0: i32, %arg1: i32, %arg2: memref<16x20480xf32, #tpu.memory_space<hbm>>, %arg3: memref<20480xi32, #tpu.memory_space<hbm>>, %arg4: memref<16x2064xi32, #tpu.memory_space<hbm>>, %arg5: memref<16xi32, #tpu.memory_space<hbm>>, %arg6: memref<16x128xf32, #tpu.memory_space<hbm>>, %arg7: memref<20480xf32, #tpu.memory_space<vmem>>, %arg8: memref<20480xf32, #tpu.memory_space<vmem>>, %arg9: memref<20480xi32, #tpu.memory_space<vmem>>, %arg10: memref<2064xi32, #tpu.memory_space<vmem>>, %arg11: memref<1056xf32, #tpu.memory_space<vmem>>, %arg12: memref<1056xf32, #tpu.memory_space<vmem>>, %arg13: memref<16xi32, #tpu.memory_space<vmem>>, %arg14: memref<128xf32, #tpu.memory_space<vmem>>, %arg15: memref<16x2x16xf32, #tpu.memory_space<vmem_shared>>) attributes {dimension_semantics = [#tpu.dimension_semantics<core_parallel>, #tpu.dimension_semantics<subcore_parallel>], iteration_bounds = array<i64: 2, 16>, scalar_prefetch = 0 : i64, scratch_operands = 9 : i64, tpu.core_type = #tpu.core_type<sc_vector_subcore>, window_params = [{transform_indices = #map}, {transform_indices = #map1}, {transform_indices = #map}, {transform_indices = #map1}, {transform_indices = #map}]} {
    %and3A = arith.constant 1 : i32
    %and3A_0 = arith.andi %arg1, %and3A : i32
    %shift_right_logical3A = arith.constant 1 : i32
    %shift_right_logical3A_1 = arith.shrui %arg1, %shift_right_logical3A : i32
    %mul3A = arith.constant 8 : i32
    %mul3A_2 = arith.muli %arg0, %mul3A : i32
    %add3A = arith.addi %mul3A_2, %shift_right_logical3A_1 : i32
    "tpu.region"() ({
      %run_scoped3A = tpu.sem_alloc : memref<!tpu.dma_semaphore, #tpu.memory_space<semaphore_mem>>
      %dma_start3A = arith.constant 0 : i32
      %dma_start3A_316 = tpu.memref_slice %arg2[%add3A, %dma_start3A] : memref<16x20480xf32, #tpu.memory_space<hbm>> -> memref<1x20480xf32, #tpu.memory_space<hbm>>
      %dma_start3A_317 = tpu.memref_squeeze %dma_start3A_316 : memref<1x20480xf32, #tpu.memory_space<hbm>> -> memref<20480xf32, #tpu.memory_space<hbm>>
      %dma_start3A_318 = arith.constant 0 : i32
      %dma_start3A_319 = tpu.memref_slice %arg2[%add3A, %dma_start3A_318] : memref<16x20480xf32, #tpu.memory_space<hbm>> -> memref<1x20480xf32, #tpu.memory_space<hbm>>
      %dma_start3A_320 = tpu.memref_squeeze %dma_start3A_319 : memref<1x20480xf32, #tpu.memory_space<hbm>> -> memref<20480xf32, #tpu.memory_space<hbm>>
      tpu.enqueue_dma source(%dma_start3A_320 : memref<20480xf32, #tpu.memory_space<hbm>>) target(%arg7 : memref<20480xf32, #tpu.memory_space<vmem>>) target_semaphore(%run_scoped3A : memref<!tpu.dma_semaphore, #tpu.memory_space<semaphore_mem>>)
      %dma_wait3A = arith.constant 0 : i32
      %dma_wait3A_321 = tpu.memref_slice %arg2[%add3A, %dma_wait3A] : memref<16x20480xf32, #tpu.memory_space<hbm>> -> memref<1x20480xf32, #tpu.memory_space<hbm>>
      %dma_wait3A_322 = tpu.memref_squeeze %dma_wait3A_321 : memref<1x20480xf32, #tpu.memory_space<hbm>> -> memref<20480xf32, #tpu.memory_space<hbm>>
      %dma_wait3A_323 = arith.constant 0 : i32
      %dma_wait3A_324 = tpu.memref_slice %arg2[%add3A, %dma_wait3A_323] : memref<16x20480xf32, #tpu.memory_space<hbm>> -> memref<1x20480xf32, #tpu.memory_space<hbm>>
      %dma_wait3A_325 = tpu.memref_squeeze %dma_wait3A_324 : memref<1x20480xf32, #tpu.memory_space<hbm>> -> memref<20480xf32, #tpu.memory_space<hbm>>
      tpu.wait_dma2 semaphore(%run_scoped3A : memref<!tpu.dma_semaphore, #tpu.memory_space<semaphore_mem>>) src(%dma_wait3A_325 : memref<20480xf32, #tpu.memory_space<hbm>>) dst(%arg7 : memref<20480xf32, #tpu.memory_space<vmem>>)
      tpu.yield
    }) : () -> ()
    "tpu.region"() ({
      %run_scoped3A = tpu.sem_alloc : memref<!tpu.dma_semaphore, #tpu.memory_space<semaphore_mem>>
      tpu.enqueue_dma source(%arg3 : memref<20480xi32, #tpu.memory_space<hbm>>) target(%arg9 : memref<20480xi32, #tpu.memory_space<vmem>>) target_semaphore(%run_scoped3A : memref<!tpu.dma_semaphore, #tpu.memory_space<semaphore_mem>>)
      tpu.wait_dma2 semaphore(%run_scoped3A : memref<!tpu.dma_semaphore, #tpu.memory_space<semaphore_mem>>) src(%arg3 : memref<20480xi32, #tpu.memory_space<hbm>>) dst(%arg9 : memref<20480xi32, #tpu.memory_space<vmem>>)
      tpu.yield
    }) : () -> ()
    "tpu.region"() ({
      %run_scoped3A = tpu.sem_alloc : memref<!tpu.dma_semaphore, #tpu.memory_space<semaphore_mem>>
      %dma_start3A = arith.constant 0 : i32
      %dma_start3A_316 = tpu.memref_slice %arg4[%add3A, %dma_start3A] : memref<16x2064xi32, #tpu.memory_space<hbm>> -> memref<1x2064xi32, #tpu.memory_space<hbm>>
      %dma_start3A_317 = tpu.memref_squeeze %dma_start3A_316 : memref<1x2064xi32, #tpu.memory_space<hbm>> -> memref<2064xi32, #tpu.memory_space<hbm>>
      %dma_start3A_318 = arith.constant 0 : i32
      %dma_start3A_319 = tpu.memref_slice %arg4[%add3A, %dma_start3A_318] : memref<16x2064xi32, #tpu.memory_space<hbm>> -> memref<1x2064xi32, #tpu.memory_space<hbm>>
      %dma_start3A_320 = tpu.memref_squeeze %dma_start3A_319 : memref<1x2064xi32, #tpu.memory_space<hbm>> -> memref<2064xi32, #tpu.memory_space<hbm>>
      tpu.enqueue_dma source(%dma_start3A_320 : memref<2064xi32, #tpu.memory_space<hbm>>) target(%arg10 : memref<2064xi32, #tpu.memory_space<vmem>>) target_semaphore(%run_scoped3A : memref<!tpu.dma_semaphore, #tpu.memory_space<semaphore_mem>>)
      %dma_wait3A = arith.constant 0 : i32
      %dma_wait3A_321 = tpu.memref_slice %arg4[%add3A, %dma_wait3A] : memref<16x2064xi32, #tpu.memory_space<hbm>> -> memref<1x2064xi32, #tpu.memory_space<hbm>>
      %dma_wait3A_322 = tpu.memref_squeeze %dma_wait3A_321 : memref<1x2064xi32, #tpu.memory_space<hbm>> -> memref<2064xi32, #tpu.memory_space<hbm>>
      %dma_wait3A_323 = arith.constant 0 : i32
      %dma_wait3A_324 = tpu.memref_slice %arg4[%add3A, %dma_wait3A_323] : memref<16x2064xi32, #tpu.memory_space<hbm>> -> memref<1x2064xi32, #tpu.memory_space<hbm>>
      %dma_wait3A_325 = tpu.memref_squeeze %dma_wait3A_324 : memref<1x2064xi32, #tpu.memory_space<hbm>> -> memref<2064xi32, #tpu.memory_space<hbm>>
      tpu.wait_dma2 semaphore(%run_scoped3A : memref<!tpu.dma_semaphore, #tpu.memory_space<semaphore_mem>>) src(%dma_wait3A_325 : memref<2064xi32, #tpu.memory_space<hbm>>) dst(%arg10 : memref<2064xi32, #tpu.memory_space<vmem>>)
      tpu.yield
    }) : () -> ()
    %mul3A_3 = arith.constant 1024 : i32
    %mul3A_4 = arith.muli %and3A_0, %mul3A_3 : i32
    "tpu.region"() ({
      %run_scoped3A = tpu.sem_alloc : memref<!tpu.dma_semaphore, #tpu.memory_space<semaphore_mem>>
      tpu.enqueue_dma source(%arg5 : memref<16xi32, #tpu.memory_space<hbm>>) target(%arg13 : memref<16xi32, #tpu.memory_space<vmem>>) target_semaphore(%run_scoped3A : memref<!tpu.dma_semaphore, #tpu.memory_space<semaphore_mem>>)
      tpu.wait_dma2 semaphore(%run_scoped3A : memref<!tpu.dma_semaphore, #tpu.memory_space<semaphore_mem>>) src(%arg5 : memref<16xi32, #tpu.memory_space<hbm>>) dst(%arg13 : memref<16xi32, #tpu.memory_space<vmem>>)
      tpu.yield
    }) : () -> ()
    %broadcast_in_dim3A = arith.constant 0.000000e+00 : f32
    %broadcast_in_dim3A_5 = vector.broadcast %broadcast_in_dim3A : f32 to vector<16xf32>
    %parallel_loop3A = arith.constant 0 : i32
    %parallel_loop3A_6 = arith.constant 20480 : i32
    %parallel_loop3A_7 = arith.constant 16 : i32
    %parallel_loop3A_8 = scf.for %parallel_loop3A_316 = %parallel_loop3A to %parallel_loop3A_6 step %parallel_loop3A_7 iter_args(%parallel_loop3A_317 = %broadcast_in_dim3A_5) -> (vector<16xf32>)  : i32 {
      %parallel_loop3A_318 = arith.index_cast %parallel_loop3A_316 : i32 to index
      %parallel_loop3A_319 = tpu.vector_load %arg9[%parallel_loop3A_318] {strides = array<i32>} : memref<20480xi32, #tpu.memory_space<vmem>>, vector<16xi32>,
      %parallel_loop3A_320 = tpu.vector_load_idx %arg7[%parallel_loop3A_319] : memref<20480xf32, #tpu.memory_space<vmem>>[vector<16xi32>], vector<16xf32>,
      %parallel_loop3A_321 = arith.index_cast %parallel_loop3A_316 : i32 to index
      %parallel_loop3A_322 = tpu.vector_load %arg7[%parallel_loop3A_321] {strides = array<i32>} : memref<20480xf32, #tpu.memory_space<vmem>>, vector<16xf32>,
      %parallel_loop3A_323 = arith.subf %parallel_loop3A_322, %parallel_loop3A_320 : vector<16xf32>
      %parallel_loop3A_324 = arith.index_cast %parallel_loop3A_316 : i32 to index
      %parallel_loop3A_325 = tpu.vector_load %arg8[%parallel_loop3A_324] {strides = array<i32>} : memref<20480xf32, #tpu.memory_space<vmem>>, vector<16xf32>,
      tpu.vector_store %arg8[%parallel_loop3A_324], %parallel_loop3A_323 {strides = array<i32>} : memref<20480xf32, #tpu.memory_space<vmem>>, vector<16xf32>,
      %parallel_loop3A_326 = arith.addf %parallel_loop3A_317, %parallel_loop3A_320 : vector<16xf32>
      scf.yield %parallel_loop3A_326 : vector<16xf32>
    } {sc.loop_unroll_factor = 4 : i64, sc.parallel_access}
    %reduce_sum3A = arith.constant true
    %reduce_sum3A_9 = vector.broadcast %reduce_sum3A : i1 to vector<16xi1>
    %reduce_sum3A_10 = tpu.scan <sum>, %parallel_loop3A_8 masked %reduce_sum3A_9 : vector<16xf32>, vector<16xi1> -> vector<16xf32>
    %reduce_sum3A_11 = vector.extract %reduce_sum3A_10[15] : f32 from vector<16xf32>
    %mul3A_12 = arith.constant 2.000000e-01 : f32
    %mul3A_13 = arith.mulf %reduce_sum3A_11, %mul3A_12 : f32
    %broadcast_in_dim3A_14 = arith.constant -1.000000e+30 : f32
    %broadcast_in_dim3A_15 = vector.broadcast %broadcast_in_dim3A_14 : f32 to vector<16xf32>
    %swap3A = arith.constant 0 : index
    %swap3A_16 = tpu.vector_load %arg11[%swap3A] {strides = array<i32>} : memref<1056xf32, #tpu.memory_space<vmem>>, vector<16xf32>,
    tpu.vector_store %arg11[%swap3A], %broadcast_in_dim3A_15 {strides = array<i32>} : memref<1056xf32, #tpu.memory_space<vmem>>, vector<16xf32>,
    %swap3A_17 = arith.constant 0 : index
    %swap3A_18 = tpu.vector_load %arg12[%swap3A_17] {strides = array<i32>} : memref<1056xf32, #tpu.memory_space<vmem>>, vector<16xf32>,
    tpu.vector_store %arg12[%swap3A_17], %broadcast_in_dim3A_15 {strides = array<i32>} : memref<1056xf32, #tpu.memory_space<vmem>>, vector<16xf32>,
    %swap3A_19 = arith.constant 16 : index
    %swap3A_20 = tpu.vector_load %arg11[%swap3A_19] {strides = array<i32>} : memref<1056xf32, #tpu.memory_space<vmem>>, vector<16xf32>,
    tpu.vector_store %arg11[%swap3A_19], %broadcast_in_dim3A_15 {strides = array<i32>} : memref<1056xf32, #tpu.memory_space<vmem>>, vector<16xf32>,
    %swap3A_21 = arith.constant 16 : index
    %swap3A_22 = tpu.vector_load %arg12[%swap3A_21] {strides = array<i32>} : memref<1056xf32, #tpu.memory_space<vmem>>, vector<16xf32>,
    tpu.vector_store %arg12[%swap3A_21], %broadcast_in_dim3A_15 {strides = array<i32>} : memref<1056xf32, #tpu.memory_space<vmem>>, vector<16xf32>,
    %swap3A_23 = arith.constant 32 : index
    %swap3A_24 = tpu.vector_load %arg11[%swap3A_23] {strides = array<i32>} : memref<1056xf32, #tpu.memory_space<vmem>>, vector<16xf32>,
    tpu.vector_store %arg11[%swap3A_23], %broadcast_in_dim3A_15 {strides = array<i32>} : memref<1056xf32, #tpu.memory_space<vmem>>, vector<16xf32>,
    %swap3A_25 = arith.constant 32 : index
    %swap3A_26 = tpu.vector_load %arg12[%swap3A_25] {strides = array<i32>} : memref<1056xf32, #tpu.memory_space<vmem>>, vector<16xf32>,
    tpu.vector_store %arg12[%swap3A_25], %broadcast_in_dim3A_15 {strides = array<i32>} : memref<1056xf32, #tpu.memory_space<vmem>>, vector<16xf32>,
    %swap3A_27 = arith.constant 48 : index
    %swap3A_28 = tpu.vector_load %arg11[%swap3A_27] {strides = array<i32>} : memref<1056xf32, #tpu.memory_space<vmem>>, vector<16xf32>,
    tpu.vector_store %arg11[%swap3A_27], %broadcast_in_dim3A_15 {strides = array<i32>} : memref<1056xf32, #tpu.memory_space<vmem>>, vector<16xf32>,
    %swap3A_29 = arith.constant 48 : index
    %swap3A_30 = tpu.vector_load %arg12[%swap3A_29] {strides = array<i32>} : memref<1056xf32, #tpu.memory_space<vmem>>, vector<16xf32>,
    tpu.vector_store %arg12[%swap3A_29], %broadcast_in_dim3A_15 {strides = array<i32>} : memref<1056xf32, #tpu.memory_space<vmem>>, vector<16xf32>,
    %swap3A_31 = arith.constant 64 : index
    %swap3A_32 = tpu.vector_load %arg11[%swap3A_31] {strides = array<i32>} : memref<1056xf32, #tpu.memory_space<vmem>>, vector<16xf32>,
    tpu.vector_store %arg11[%swap3A_31], %broadcast_in_dim3A_15 {strides = array<i32>} : memref<1056xf32, #tpu.memory_space<vmem>>, vector<16xf32>,
    %swap3A_33 = arith.constant 64 : index
    %swap3A_34 = tpu.vector_load %arg12[%swap3A_33] {strides = array<i32>} : memref<1056xf32, #tpu.memory_space<vmem>>, vector<16xf32>,
    tpu.vector_store %arg12[%swap3A_33], %broadcast_in_dim3A_15 {strides = array<i32>} : memref<1056xf32, #tpu.memory_space<vmem>>, vector<16xf32>,
    %swap3A_35 = arith.constant 80 : index
    %swap3A_36 = tpu.vector_load %arg11[%swap3A_35] {strides = array<i32>} : memref<1056xf32, #tpu.memory_space<vmem>>, vector<16xf32>,
    tpu.vector_store %arg11[%swap3A_35], %broadcast_in_dim3A_15 {strides = array<i32>} : memref<1056xf32, #tpu.memory_space<vmem>>, vector<16xf32>,
    %swap3A_37 = arith.constant 80 : index
    %swap3A_38 = tpu.vector_load %arg12[%swap3A_37] {strides = array<i32>} : memref<1056xf32, #tpu.memory_space<vmem>>, vector<16xf32>,
    tpu.vector_store %arg12[%swap3A_37], %broadcast_in_dim3A_15 {strides = array<i32>} : memref<1056xf32, #tpu.memory_space<vmem>>, vector<16xf32>,
    %swap3A_39 = arith.constant 96 : index
    %swap3A_40 = tpu.vector_load %arg11[%swap3A_39] {strides = array<i32>} : memref<1056xf32, #tpu.memory_space<vmem>>, vector<16xf32>,
    tpu.vector_store %arg11[%swap3A_39], %broadcast_in_dim3A_15 {strides = array<i32>} : memref<1056xf32, #tpu.memory_space<vmem>>, vector<16xf32>,
    %swap3A_41 = arith.constant 96 : index
    %swap3A_42 = tpu.vector_load %arg12[%swap3A_41] {strides = array<i32>} : memref<1056xf32, #tpu.memory_space<vmem>>, vector<16xf32>,
    tpu.vector_store %arg12[%swap3A_41], %broadcast_in_dim3A_15 {strides = array<i32>} : memref<1056xf32, #tpu.memory_space<vmem>>, vector<16xf32>,
    %swap3A_43 = arith.constant 112 : index
    %swap3A_44 = tpu.vector_load %arg11[%swap3A_43] {strides = array<i32>} : memref<1056xf32, #tpu.memory_space<vmem>>, vector<16xf32>,
    tpu.vector_store %arg11[%swap3A_43], %broadcast_in_dim3A_15 {strides = array<i32>} : memref<1056xf32, #tpu.memory_space<vmem>>, vector<16xf32>,
    %swap3A_45 = arith.constant 112 : index
    %swap3A_46 = tpu.vector_load %arg12[%swap3A_45] {strides = array<i32>} : memref<1056xf32, #tpu.memory_space<vmem>>, vector<16xf32>,
    tpu.vector_store %arg12[%swap3A_45], %broadcast_in_dim3A_15 {strides = array<i32>} : memref<1056xf32, #tpu.memory_space<vmem>>, vector<16xf32>,
    %swap3A_47 = arith.constant 128 : index
    %swap3A_48 = tpu.vector_load %arg11[%swap3A_47] {strides = array<i32>} : memref<1056xf32, #tpu.memory_space<vmem>>, vector<16xf32>,
    tpu.vector_store %arg11[%swap3A_47], %broadcast_in_dim3A_15 {strides = array<i32>} : memref<1056xf32, #tpu.memory_space<vmem>>, vector<16xf32>,
    %swap3A_49 = arith.constant 128 : index
    %swap3A_50 = tpu.vector_load %arg12[%swap3A_49] {strides = array<i32>} : memref<1056xf32, #tpu.memory_space<vmem>>, vector<16xf32>,
    tpu.vector_store %arg12[%swap3A_49], %broadcast_in_dim3A_15 {strides = array<i32>} : memref<1056xf32, #tpu.memory_space<vmem>>, vector<16xf32>,
    %swap3A_51 = arith.constant 144 : index
    %swap3A_52 = tpu.vector_load %arg11[%swap3A_51] {strides = array<i32>} : memref<1056xf32, #tpu.memory_space<vmem>>, vector<16xf32>,
    tpu.vector_store %arg11[%swap3A_51], %broadcast_in_dim3A_15 {strides = array<i32>} : memref<1056xf32, #tpu.memory_space<vmem>>, vector<16xf32>,
    %swap3A_53 = arith.constant 144 : index
    %swap3A_54 = tpu.vector_load %arg12[%swap3A_53] {strides = array<i32>} : memref<1056xf32, #tpu.memory_space<vmem>>, vector<16xf32>,
    tpu.vector_store %arg12[%swap3A_53], %broadcast_in_dim3A_15 {strides = array<i32>} : memref<1056xf32, #tpu.memory_space<vmem>>, vector<16xf32>,
    %swap3A_55 = arith.constant 160 : index
    %swap3A_56 = tpu.vector_load %arg11[%swap3A_55] {strides = array<i32>} : memref<1056xf32, #tpu.memory_space<vmem>>, vector<16xf32>,
    tpu.vector_store %arg11[%swap3A_55], %broadcast_in_dim3A_15 {strides = array<i32>} : memref<1056xf32, #tpu.memory_space<vmem>>, vector<16xf32>,
    %swap3A_57 = arith.constant 160 : index
    %swap3A_58 = tpu.vector_load %arg12[%swap3A_57] {strides = array<i32>} : memref<1056xf32, #tpu.memory_space<vmem>>, vector<16xf32>,
    tpu.vector_store %arg12[%swap3A_57], %broadcast_in_dim3A_15 {strides = array<i32>} : memref<1056xf32, #tpu.memory_space<vmem>>, vector<16xf32>,
    %swap3A_59 = arith.constant 176 : index
    %swap3A_60 = tpu.vector_load %arg11[%swap3A_59] {strides = array<i32>} : memref<1056xf32, #tpu.memory_space<vmem>>, vector<16xf32>,
    tpu.vector_store %arg11[%swap3A_59], %broadcast_in_dim3A_15 {strides = array<i32>} : memref<1056xf32, #tpu.memory_space<vmem>>, vector<16xf32>,
    %swap3A_61 = arith.constant 176 : index
    %swap3A_62 = tpu.vector_load %arg12[%swap3A_61] {strides = array<i32>} : memref<1056xf32, #tpu.memory_space<vmem>>, vector<16xf32>,
    tpu.vector_store %arg12[%swap3A_61], %broadcast_in_dim3A_15 {strides = array<i32>} : memref<1056xf32, #tpu.memory_space<vmem>>, vector<16xf32>,
    %swap3A_63 = arith.constant 192 : index
    %swap3A_64 = tpu.vector_load %arg11[%swap3A_63] {strides = array<i32>} : memref<1056xf32, #tpu.memory_space<vmem>>, vector<16xf32>,
    tpu.vector_store %arg11[%swap3A_63], %broadcast_in_dim3A_15 {strides = array<i32>} : memref<1056xf32, #tpu.memory_space<vmem>>, vector<16xf32>,
    %swap3A_65 = arith.constant 192 : index
    %swap3A_66 = tpu.vector_load %arg12[%swap3A_65] {strides = array<i32>} : memref<1056xf32, #tpu.memory_space<vmem>>, vector<16xf32>,
    tpu.vector_store %arg12[%swap3A_65], %broadcast_in_dim3A_15 {strides = array<i32>} : memref<1056xf32, #tpu.memory_space<vmem>>, vector<16xf32>,
    %swap3A_67 = arith.constant 208 : index
    %swap3A_68 = tpu.vector_load %arg11[%swap3A_67] {strides = array<i32>} : memref<1056xf32, #tpu.memory_space<vmem>>, vector<16xf32>,
    tpu.vector_store %arg11[%swap3A_67], %broadcast_in_dim3A_15 {strides = array<i32>} : memref<1056xf32, #tpu.memory_space<vmem>>, vector<16xf32>,
    %swap3A_69 = arith.constant 208 : index
    %swap3A_70 = tpu.vector_load %arg12[%swap3A_69] {strides = array<i32>} : memref<1056xf32, #tpu.memory_space<vmem>>, vector<16xf32>,
    tpu.vector_store %arg12[%swap3A_69], %broadcast_in_dim3A_15 {strides = array<i32>} : memref<1056xf32, #tpu.memory_space<vmem>>, vector<16xf32>,
    %swap3A_71 = arith.constant 224 : index
    %swap3A_72 = tpu.vector_load %arg11[%swap3A_71] {strides = array<i32>} : memref<1056xf32, #tpu.memory_space<vmem>>, vector<16xf32>,
    tpu.vector_store %arg11[%swap3A_71], %broadcast_in_dim3A_15 {strides = array<i32>} : memref<1056xf32, #tpu.memory_space<vmem>>, vector<16xf32>,
    %swap3A_73 = arith.constant 224 : index
    %swap3A_74 = tpu.vector_load %arg12[%swap3A_73] {strides = array<i32>} : memref<1056xf32, #tpu.memory_space<vmem>>, vector<16xf32>,
    tpu.vector_store %arg12[%swap3A_73], %broadcast_in_dim3A_15 {strides = array<i32>} : memref<1056xf32, #tpu.memory_space<vmem>>, vector<16xf32>,
    %swap3A_75 = arith.constant 240 : index
    %swap3A_76 = tpu.vector_load %arg11[%swap3A_75] {strides = array<i32>} : memref<1056xf32, #tpu.memory_space<vmem>>, vector<16xf32>,
    tpu.vector_store %arg11[%swap3A_75], %broadcast_in_dim3A_15 {strides = array<i32>} : memref<1056xf32, #tpu.memory_space<vmem>>, vector<16xf32>,
    %swap3A_77 = arith.constant 240 : index
    %swap3A_78 = tpu.vector_load %arg12[%swap3A_77] {strides = array<i32>} : memref<1056xf32, #tpu.memory_space<vmem>>, vector<16xf32>,
    tpu.vector_store %arg12[%swap3A_77], %broadcast_in_dim3A_15 {strides = array<i32>} : memref<1056xf32, #tpu.memory_space<vmem>>, vector<16xf32>,
    %swap3A_79 = arith.constant 256 : index
    %swap3A_80 = tpu.vector_load %arg11[%swap3A_79] {strides = array<i32>} : memref<1056xf32, #tpu.memory_space<vmem>>, vector<16xf32>,
    tpu.vector_store %arg11[%swap3A_79], %broadcast_in_dim3A_15 {strides = array<i32>} : memref<1056xf32, #tpu.memory_space<vmem>>, vector<16xf32>,
    %swap3A_81 = arith.constant 256 : index
    %swap3A_82 = tpu.vector_load %arg12[%swap3A_81] {strides = array<i32>} : memref<1056xf32, #tpu.memory_space<vmem>>, vector<16xf32>,
    tpu.vector_store %arg12[%swap3A_81], %broadcast_in_dim3A_15 {strides = array<i32>} : memref<1056xf32, #tpu.memory_space<vmem>>, vector<16xf32>,
    %swap3A_83 = arith.constant 272 : index
    %swap3A_84 = tpu.vector_load %arg11[%swap3A_83] {strides = array<i32>} : memref<1056xf32, #tpu.memory_space<vmem>>, vector<16xf32>,
    tpu.vector_store %arg11[%swap3A_83], %broadcast_in_dim3A_15 {strides = array<i32>} : memref<1056xf32, #tpu.memory_space<vmem>>, vector<16xf32>,
    %swap3A_85 = arith.constant 272 : index
    %swap3A_86 = tpu.vector_load %arg12[%swap3A_85] {strides = array<i32>} : memref<1056xf32, #tpu.memory_space<vmem>>, vector<16xf32>,
    tpu.vector_store %arg12[%swap3A_85], %broadcast_in_dim3A_15 {strides = array<i32>} : memref<1056xf32, #tpu.memory_space<vmem>>, vector<16xf32>,
    %swap3A_87 = arith.constant 288 : index
    %swap3A_88 = tpu.vector_load %arg11[%swap3A_87] {strides = array<i32>} : memref<1056xf32, #tpu.memory_space<vmem>>, vector<16xf32>,
    tpu.vector_store %arg11[%swap3A_87], %broadcast_in_dim3A_15 {strides = array<i32>} : memref<1056xf32, #tpu.memory_space<vmem>>, vector<16xf32>,
    %swap3A_89 = arith.constant 288 : index
    %swap3A_90 = tpu.vector_load %arg12[%swap3A_89] {strides = array<i32>} : memref<1056xf32, #tpu.memory_space<vmem>>, vector<16xf32>,
    tpu.vector_store %arg12[%swap3A_89], %broadcast_in_dim3A_15 {strides = array<i32>} : memref<1056xf32, #tpu.memory_space<vmem>>, vector<16xf32>,
    %swap3A_91 = arith.constant 304 : index
    %swap3A_92 = tpu.vector_load %arg11[%swap3A_91] {strides = array<i32>} : memref<1056xf32, #tpu.memory_space<vmem>>, vector<16xf32>,
    tpu.vector_store %arg11[%swap3A_91], %broadcast_in_dim3A_15 {strides = array<i32>} : memref<1056xf32, #tpu.memory_space<vmem>>, vector<16xf32>,
    %swap3A_93 = arith.constant 304 : index
    %swap3A_94 = tpu.vector_load %arg12[%swap3A_93] {strides = array<i32>} : memref<1056xf32, #tpu.memory_space<vmem>>, vector<16xf32>,
    tpu.vector_store %arg12[%swap3A_93], %broadcast_in_dim3A_15 {strides = array<i32>} : memref<1056xf32, #tpu.memory_space<vmem>>, vector<16xf32>,
    %swap3A_95 = arith.constant 320 : index
    %swap3A_96 = tpu.vector_load %arg11[%swap3A_95] {strides = array<i32>} : memref<1056xf32, #tpu.memory_space<vmem>>, vector<16xf32>,
    tpu.vector_store %arg11[%swap3A_95], %broadcast_in_dim3A_15 {strides = array<i32>} : memref<1056xf32, #tpu.memory_space<vmem>>, vector<16xf32>,
    %swap3A_97 = arith.constant 320 : index
    %swap3A_98 = tpu.vector_load %arg12[%swap3A_97] {strides = array<i32>} : memref<1056xf32, #tpu.memory_space<vmem>>, vector<16xf32>,
    tpu.vector_store %arg12[%swap3A_97], %broadcast_in_dim3A_15 {strides = array<i32>} : memref<1056xf32, #tpu.memory_space<vmem>>, vector<16xf32>,
    %swap3A_99 = arith.constant 336 : index
    %swap3A_100 = tpu.vector_load %arg11[%swap3A_99] {strides = array<i32>} : memref<1056xf32, #tpu.memory_space<vmem>>, vector<16xf32>,
    tpu.vector_store %arg11[%swap3A_99], %broadcast_in_dim3A_15 {strides = array<i32>} : memref<1056xf32, #tpu.memory_space<vmem>>, vector<16xf32>,
    %swap3A_101 = arith.constant 336 : index
    %swap3A_102 = tpu.vector_load %arg12[%swap3A_101] {strides = array<i32>} : memref<1056xf32, #tpu.memory_space<vmem>>, vector<16xf32>,
    tpu.vector_store %arg12[%swap3A_101], %broadcast_in_dim3A_15 {strides = array<i32>} : memref<1056xf32, #tpu.memory_space<vmem>>, vector<16xf32>,
    %swap3A_103 = arith.constant 352 : index
    %swap3A_104 = tpu.vector_load %arg11[%swap3A_103] {strides = array<i32>} : memref<1056xf32, #tpu.memory_space<vmem>>, vector<16xf32>,
    tpu.vector_store %arg11[%swap3A_103], %broadcast_in_dim3A_15 {strides = array<i32>} : memref<1056xf32, #tpu.memory_space<vmem>>, vector<16xf32>,
    %swap3A_105 = arith.constant 352 : index
    %swap3A_106 = tpu.vector_load %arg12[%swap3A_105] {strides = array<i32>} : memref<1056xf32, #tpu.memory_space<vmem>>, vector<16xf32>,
    tpu.vector_store %arg12[%swap3A_105], %broadcast_in_dim3A_15 {strides = array<i32>} : memref<1056xf32, #tpu.memory_space<vmem>>, vector<16xf32>,
    %swap3A_107 = arith.constant 368 : index
    %swap3A_108 = tpu.vector_load %arg11[%swap3A_107] {strides = array<i32>} : memref<1056xf32, #tpu.memory_space<vmem>>, vector<16xf32>,
    tpu.vector_store %arg11[%swap3A_107], %broadcast_in_dim3A_15 {strides = array<i32>} : memref<1056xf32, #tpu.memory_space<vmem>>, vector<16xf32>,
    %swap3A_109 = arith.constant 368 : index
    %swap3A_110 = tpu.vector_load %arg12[%swap3A_109] {strides = array<i32>} : memref<1056xf32, #tpu.memory_space<vmem>>, vector<16xf32>,
    tpu.vector_store %arg12[%swap3A_109], %broadcast_in_dim3A_15 {strides = array<i32>} : memref<1056xf32, #tpu.memory_space<vmem>>, vector<16xf32>,
    %swap3A_111 = arith.constant 384 : index
    %swap3A_112 = tpu.vector_load %arg11[%swap3A_111] {strides = array<i32>} : memref<1056xf32, #tpu.memory_space<vmem>>, vector<16xf32>,
    tpu.vector_store %arg11[%swap3A_111], %broadcast_in_dim3A_15 {strides = array<i32>} : memref<1056xf32, #tpu.memory_space<vmem>>, vector<16xf32>,
    %swap3A_113 = arith.constant 384 : index
    %swap3A_114 = tpu.vector_load %arg12[%swap3A_113] {strides = array<i32>} : memref<1056xf32, #tpu.memory_space<vmem>>, vector<16xf32>,
    tpu.vector_store %arg12[%swap3A_113], %broadcast_in_dim3A_15 {strides = array<i32>} : memref<1056xf32, #tpu.memory_space<vmem>>, vector<16xf32>,
    %swap3A_115 = arith.constant 400 : index
    %swap3A_116 = tpu.vector_load %arg11[%swap3A_115] {strides = array<i32>} : memref<1056xf32, #tpu.memory_space<vmem>>, vector<16xf32>,
    tpu.vector_store %arg11[%swap3A_115], %broadcast_in_dim3A_15 {strides = array<i32>} : memref<1056xf32, #tpu.memory_space<vmem>>, vector<16xf32>,
    %swap3A_117 = arith.constant 400 : index
    %swap3A_118 = tpu.vector_load %arg12[%swap3A_117] {strides = array<i32>} : memref<1056xf32, #tpu.memory_space<vmem>>, vector<16xf32>,
    tpu.vector_store %arg12[%swap3A_117], %broadcast_in_dim3A_15 {strides = array<i32>} : memref<1056xf32, #tpu.memory_space<vmem>>, vector<16xf32>,
    %swap3A_119 = arith.constant 416 : index
    %swap3A_120 = tpu.vector_load %arg11[%swap3A_119] {strides = array<i32>} : memref<1056xf32, #tpu.memory_space<vmem>>, vector<16xf32>,
    tpu.vector_store %arg11[%swap3A_119], %broadcast_in_dim3A_15 {strides = array<i32>} : memref<1056xf32, #tpu.memory_space<vmem>>, vector<16xf32>,
    %swap3A_121 = arith.constant 416 : index
    %swap3A_122 = tpu.vector_load %arg12[%swap3A_121] {strides = array<i32>} : memref<1056xf32, #tpu.memory_space<vmem>>, vector<16xf32>,
    tpu.vector_store %arg12[%swap3A_121], %broadcast_in_dim3A_15 {strides = array<i32>} : memref<1056xf32, #tpu.memory_space<vmem>>, vector<16xf32>,
    %swap3A_123 = arith.constant 432 : index
    %swap3A_124 = tpu.vector_load %arg11[%swap3A_123] {strides = array<i32>} : memref<1056xf32, #tpu.memory_space<vmem>>, vector<16xf32>,
    tpu.vector_store %arg11[%swap3A_123], %broadcast_in_dim3A_15 {strides = array<i32>} : memref<1056xf32, #tpu.memory_space<vmem>>, vector<16xf32>,
    %swap3A_125 = arith.constant 432 : index
    %swap3A_126 = tpu.vector_load %arg12[%swap3A_125] {strides = array<i32>} : memref<1056xf32, #tpu.memory_space<vmem>>, vector<16xf32>,
    tpu.vector_store %arg12[%swap3A_125], %broadcast_in_dim3A_15 {strides = array<i32>} : memref<1056xf32, #tpu.memory_space<vmem>>, vector<16xf32>,
    %swap3A_127 = arith.constant 448 : index
    %swap3A_128 = tpu.vector_load %arg11[%swap3A_127] {strides = array<i32>} : memref<1056xf32, #tpu.memory_space<vmem>>, vector<16xf32>,
    tpu.vector_store %arg11[%swap3A_127], %broadcast_in_dim3A_15 {strides = array<i32>} : memref<1056xf32, #tpu.memory_space<vmem>>, vector<16xf32>,
    %swap3A_129 = arith.constant 448 : index
    %swap3A_130 = tpu.vector_load %arg12[%swap3A_129] {strides = array<i32>} : memref<1056xf32, #tpu.memory_space<vmem>>, vector<16xf32>,
    tpu.vector_store %arg12[%swap3A_129], %broadcast_in_dim3A_15 {strides = array<i32>} : memref<1056xf32, #tpu.memory_space<vmem>>, vector<16xf32>,
    %swap3A_131 = arith.constant 464 : index
    %swap3A_132 = tpu.vector_load %arg11[%swap3A_131] {strides = array<i32>} : memref<1056xf32, #tpu.memory_space<vmem>>, vector<16xf32>,
    tpu.vector_store %arg11[%swap3A_131], %broadcast_in_dim3A_15 {strides = array<i32>} : memref<1056xf32, #tpu.memory_space<vmem>>, vector<16xf32>,
    %swap3A_133 = arith.constant 464 : index
    %swap3A_134 = tpu.vector_load %arg12[%swap3A_133] {strides = array<i32>} : memref<1056xf32, #tpu.memory_space<vmem>>, vector<16xf32>,
    tpu.vector_store %arg12[%swap3A_133], %broadcast_in_dim3A_15 {strides = array<i32>} : memref<1056xf32, #tpu.memory_space<vmem>>, vector<16xf32>,
    %swap3A_135 = arith.constant 480 : index
    %swap3A_136 = tpu.vector_load %arg11[%swap3A_135] {strides = array<i32>} : memref<1056xf32, #tpu.memory_space<vmem>>, vector<16xf32>,
    tpu.vector_store %arg11[%swap3A_135], %broadcast_in_dim3A_15 {strides = array<i32>} : memref<1056xf32, #tpu.memory_space<vmem>>, vector<16xf32>,
    %swap3A_137 = arith.constant 480 : index
    %swap3A_138 = tpu.vector_load %arg12[%swap3A_137] {strides = array<i32>} : memref<1056xf32, #tpu.memory_space<vmem>>, vector<16xf32>,
    tpu.vector_store %arg12[%swap3A_137], %broadcast_in_dim3A_15 {strides = array<i32>} : memref<1056xf32, #tpu.memory_space<vmem>>, vector<16xf32>,
    %swap3A_139 = arith.constant 496 : index
    %swap3A_140 = tpu.vector_load %arg11[%swap3A_139] {strides = array<i32>} : memref<1056xf32, #tpu.memory_space<vmem>>, vector<16xf32>,
    tpu.vector_store %arg11[%swap3A_139], %broadcast_in_dim3A_15 {strides = array<i32>} : memref<1056xf32, #tpu.memory_space<vmem>>, vector<16xf32>,
    %swap3A_141 = arith.constant 496 : index
    %swap3A_142 = tpu.vector_load %arg12[%swap3A_141] {strides = array<i32>} : memref<1056xf32, #tpu.memory_space<vmem>>, vector<16xf32>,
    tpu.vector_store %arg12[%swap3A_141], %broadcast_in_dim3A_15 {strides = array<i32>} : memref<1056xf32, #tpu.memory_space<vmem>>, vector<16xf32>,
    %swap3A_143 = arith.constant 512 : index
    %swap3A_144 = tpu.vector_load %arg11[%swap3A_143] {strides = array<i32>} : memref<1056xf32, #tpu.memory_space<vmem>>, vector<16xf32>,
    tpu.vector_store %arg11[%swap3A_143], %broadcast_in_dim3A_15 {strides = array<i32>} : memref<1056xf32, #tpu.memory_space<vmem>>, vector<16xf32>,
    %swap3A_145 = arith.constant 512 : index
    %swap3A_146 = tpu.vector_load %arg12[%swap3A_145] {strides = array<i32>} : memref<1056xf32, #tpu.memory_space<vmem>>, vector<16xf32>,
    tpu.vector_store %arg12[%swap3A_145], %broadcast_in_dim3A_15 {strides = array<i32>} : memref<1056xf32, #tpu.memory_space<vmem>>, vector<16xf32>,
    %swap3A_147 = arith.constant 528 : index
    %swap3A_148 = tpu.vector_load %arg11[%swap3A_147] {strides = array<i32>} : memref<1056xf32, #tpu.memory_space<vmem>>, vector<16xf32>,
    tpu.vector_store %arg11[%swap3A_147], %broadcast_in_dim3A_15 {strides = array<i32>} : memref<1056xf32, #tpu.memory_space<vmem>>, vector<16xf32>,
    %swap3A_149 = arith.constant 528 : index
    %swap3A_150 = tpu.vector_load %arg12[%swap3A_149] {strides = array<i32>} : memref<1056xf32, #tpu.memory_space<vmem>>, vector<16xf32>,
    tpu.vector_store %arg12[%swap3A_149], %broadcast_in_dim3A_15 {strides = array<i32>} : memref<1056xf32, #tpu.memory_space<vmem>>, vector<16xf32>,
    %swap3A_151 = arith.constant 544 : index
    %swap3A_152 = tpu.vector_load %arg11[%swap3A_151] {strides = array<i32>} : memref<1056xf32, #tpu.memory_space<vmem>>, vector<16xf32>,
    tpu.vector_store %arg11[%swap3A_151], %broadcast_in_dim3A_15 {strides = array<i32>} : memref<1056xf32, #tpu.memory_space<vmem>>, vector<16xf32>,
    %swap3A_153 = arith.constant 544 : index
    %swap3A_154 = tpu.vector_load %arg12[%swap3A_153] {strides = array<i32>} : memref<1056xf32, #tpu.memory_space<vmem>>, vector<16xf32>,
    tpu.vector_store %arg12[%swap3A_153], %broadcast_in_dim3A_15 {strides = array<i32>} : memref<1056xf32, #tpu.memory_space<vmem>>, vector<16xf32>,
    %swap3A_155 = arith.constant 560 : index
    %swap3A_156 = tpu.vector_load %arg11[%swap3A_155] {strides = array<i32>} : memref<1056xf32, #tpu.memory_space<vmem>>, vector<16xf32>,
    tpu.vector_store %arg11[%swap3A_155], %broadcast_in_dim3A_15 {strides = array<i32>} : memref<1056xf32, #tpu.memory_space<vmem>>, vector<16xf32>,
    %swap3A_157 = arith.constant 560 : index
    %swap3A_158 = tpu.vector_load %arg12[%swap3A_157] {strides = array<i32>} : memref<1056xf32, #tpu.memory_space<vmem>>, vector<16xf32>,
    tpu.vector_store %arg12[%swap3A_157], %broadcast_in_dim3A_15 {strides = array<i32>} : memref<1056xf32, #tpu.memory_space<vmem>>, vector<16xf32>,
    %swap3A_159 = arith.constant 576 : index
    %swap3A_160 = tpu.vector_load %arg11[%swap3A_159] {strides = array<i32>} : memref<1056xf32, #tpu.memory_space<vmem>>, vector<16xf32>,
    tpu.vector_store %arg11[%swap3A_159], %broadcast_in_dim3A_15 {strides = array<i32>} : memref<1056xf32, #tpu.memory_space<vmem>>, vector<16xf32>,
    %swap3A_161 = arith.constant 576 : index
    %swap3A_162 = tpu.vector_load %arg12[%swap3A_161] {strides = array<i32>} : memref<1056xf32, #tpu.memory_space<vmem>>, vector<16xf32>,
    tpu.vector_store %arg12[%swap3A_161], %broadcast_in_dim3A_15 {strides = array<i32>} : memref<1056xf32, #tpu.memory_space<vmem>>, vector<16xf32>,
    %swap3A_163 = arith.constant 592 : index
    %swap3A_164 = tpu.vector_load %arg11[%swap3A_163] {strides = array<i32>} : memref<1056xf32, #tpu.memory_space<vmem>>, vector<16xf32>,
    tpu.vector_store %arg11[%swap3A_163], %broadcast_in_dim3A_15 {strides = array<i32>} : memref<1056xf32, #tpu.memory_space<vmem>>, vector<16xf32>,
    %swap3A_165 = arith.constant 592 : index
    %swap3A_166 = tpu.vector_load %arg12[%swap3A_165] {strides = array<i32>} : memref<1056xf32, #tpu.memory_space<vmem>>, vector<16xf32>,
    tpu.vector_store %arg12[%swap3A_165], %broadcast_in_dim3A_15 {strides = array<i32>} : memref<1056xf32, #tpu.memory_space<vmem>>, vector<16xf32>,
    %swap3A_167 = arith.constant 608 : index
    %swap3A_168 = tpu.vector_load %arg11[%swap3A_167] {strides = array<i32>} : memref<1056xf32, #tpu.memory_space<vmem>>, vector<16xf32>,
    tpu.vector_store %arg11[%swap3A_167], %broadcast_in_dim3A_15 {strides = array<i32>} : memref<1056xf32, #tpu.memory_space<vmem>>, vector<16xf32>,
    %swap3A_169 = arith.constant 608 : index
    %swap3A_170 = tpu.vector_load %arg12[%swap3A_169] {strides = array<i32>} : memref<1056xf32, #tpu.memory_space<vmem>>, vector<16xf32>,
    tpu.vector_store %arg12[%swap3A_169], %broadcast_in_dim3A_15 {strides = array<i32>} : memref<1056xf32, #tpu.memory_space<vmem>>, vector<16xf32>,
    %swap3A_171 = arith.constant 624 : index
    %swap3A_172 = tpu.vector_load %arg11[%swap3A_171] {strides = array<i32>} : memref<1056xf32, #tpu.memory_space<vmem>>, vector<16xf32>,
    tpu.vector_store %arg11[%swap3A_171], %broadcast_in_dim3A_15 {strides = array<i32>} : memref<1056xf32, #tpu.memory_space<vmem>>, vector<16xf32>,
    %swap3A_173 = arith.constant 624 : index
    %swap3A_174 = tpu.vector_load %arg12[%swap3A_173] {strides = array<i32>} : memref<1056xf32, #tpu.memory_space<vmem>>, vector<16xf32>,
    tpu.vector_store %arg12[%swap3A_173], %broadcast_in_dim3A_15 {strides = array<i32>} : memref<1056xf32, #tpu.memory_space<vmem>>, vector<16xf32>,
    %swap3A_175 = arith.constant 640 : index
    %swap3A_176 = tpu.vector_load %arg11[%swap3A_175] {strides = array<i32>} : memref<1056xf32, #tpu.memory_space<vmem>>, vector<16xf32>,
    tpu.vector_store %arg11[%swap3A_175], %broadcast_in_dim3A_15 {strides = array<i32>} : memref<1056xf32, #tpu.memory_space<vmem>>, vector<16xf32>,
    %swap3A_177 = arith.constant 640 : index
    %swap3A_178 = tpu.vector_load %arg12[%swap3A_177] {strides = array<i32>} : memref<1056xf32, #tpu.memory_space<vmem>>, vector<16xf32>,
    tpu.vector_store %arg12[%swap3A_177], %broadcast_in_dim3A_15 {strides = array<i32>} : memref<1056xf32, #tpu.memory_space<vmem>>, vector<16xf32>,
    %swap3A_179 = arith.constant 656 : index
    %swap3A_180 = tpu.vector_load %arg11[%swap3A_179] {strides = array<i32>} : memref<1056xf32, #tpu.memory_space<vmem>>, vector<16xf32>,
    tpu.vector_store %arg11[%swap3A_179], %broadcast_in_dim3A_15 {strides = array<i32>} : memref<1056xf32, #tpu.memory_space<vmem>>, vector<16xf32>,
    %swap3A_181 = arith.constant 656 : index
    %swap3A_182 = tpu.vector_load %arg12[%swap3A_181] {strides = array<i32>} : memref<1056xf32, #tpu.memory_space<vmem>>, vector<16xf32>,
    tpu.vector_store %arg12[%swap3A_181], %broadcast_in_dim3A_15 {strides = array<i32>} : memref<1056xf32, #tpu.memory_space<vmem>>, vector<16xf32>,
    %swap3A_183 = arith.constant 672 : index
    %swap3A_184 = tpu.vector_load %arg11[%swap3A_183] {strides = array<i32>} : memref<1056xf32, #tpu.memory_space<vmem>>, vector<16xf32>,
    tpu.vector_store %arg11[%swap3A_183], %broadcast_in_dim3A_15 {strides = array<i32>} : memref<1056xf32, #tpu.memory_space<vmem>>, vector<16xf32>,
    %swap3A_185 = arith.constant 672 : index
    %swap3A_186 = tpu.vector_load %arg12[%swap3A_185] {strides = array<i32>} : memref<1056xf32, #tpu.memory_space<vmem>>, vector<16xf32>,
    tpu.vector_store %arg12[%swap3A_185], %broadcast_in_dim3A_15 {strides = array<i32>} : memref<1056xf32, #tpu.memory_space<vmem>>, vector<16xf32>,
    %swap3A_187 = arith.constant 688 : index
    %swap3A_188 = tpu.vector_load %arg11[%swap3A_187] {strides = array<i32>} : memref<1056xf32, #tpu.memory_space<vmem>>, vector<16xf32>,
    tpu.vector_store %arg11[%swap3A_187], %broadcast_in_dim3A_15 {strides = array<i32>} : memref<1056xf32, #tpu.memory_space<vmem>>, vector<16xf32>,
    %swap3A_189 = arith.constant 688 : index
    %swap3A_190 = tpu.vector_load %arg12[%swap3A_189] {strides = array<i32>} : memref<1056xf32, #tpu.memory_space<vmem>>, vector<16xf32>,
    tpu.vector_store %arg12[%swap3A_189], %broadcast_in_dim3A_15 {strides = array<i32>} : memref<1056xf32, #tpu.memory_space<vmem>>, vector<16xf32>,
    %swap3A_191 = arith.constant 704 : index
    %swap3A_192 = tpu.vector_load %arg11[%swap3A_191] {strides = array<i32>} : memref<1056xf32, #tpu.memory_space<vmem>>, vector<16xf32>,
    tpu.vector_store %arg11[%swap3A_191], %broadcast_in_dim3A_15 {strides = array<i32>} : memref<1056xf32, #tpu.memory_space<vmem>>, vector<16xf32>,
    %swap3A_193 = arith.constant 704 : index
    %swap3A_194 = tpu.vector_load %arg12[%swap3A_193] {strides = array<i32>} : memref<1056xf32, #tpu.memory_space<vmem>>, vector<16xf32>,
    tpu.vector_store %arg12[%swap3A_193], %broadcast_in_dim3A_15 {strides = array<i32>} : memref<1056xf32, #tpu.memory_space<vmem>>, vector<16xf32>,
    %swap3A_195 = arith.constant 720 : index
    %swap3A_196 = tpu.vector_load %arg11[%swap3A_195] {strides = array<i32>} : memref<1056xf32, #tpu.memory_space<vmem>>, vector<16xf32>,
    tpu.vector_store %arg11[%swap3A_195], %broadcast_in_dim3A_15 {strides = array<i32>} : memref<1056xf32, #tpu.memory_space<vmem>>, vector<16xf32>,
    %swap3A_197 = arith.constant 720 : index
    %swap3A_198 = tpu.vector_load %arg12[%swap3A_197] {strides = array<i32>} : memref<1056xf32, #tpu.memory_space<vmem>>, vector<16xf32>,
    tpu.vector_store %arg12[%swap3A_197], %broadcast_in_dim3A_15 {strides = array<i32>} : memref<1056xf32, #tpu.memory_space<vmem>>, vector<16xf32>,
    %swap3A_199 = arith.constant 736 : index
    %swap3A_200 = tpu.vector_load %arg11[%swap3A_199] {strides = array<i32>} : memref<1056xf32, #tpu.memory_space<vmem>>, vector<16xf32>,
    tpu.vector_store %arg11[%swap3A_199], %broadcast_in_dim3A_15 {strides = array<i32>} : memref<1056xf32, #tpu.memory_space<vmem>>, vector<16xf32>,
    %swap3A_201 = arith.constant 736 : index
    %swap3A_202 = tpu.vector_load %arg12[%swap3A_201] {strides = array<i32>} : memref<1056xf32, #tpu.memory_space<vmem>>, vector<16xf32>,
    tpu.vector_store %arg12[%swap3A_201], %broadcast_in_dim3A_15 {strides = array<i32>} : memref<1056xf32, #tpu.memory_space<vmem>>, vector<16xf32>,
    %swap3A_203 = arith.constant 752 : index
    %swap3A_204 = tpu.vector_load %arg11[%swap3A_203] {strides = array<i32>} : memref<1056xf32, #tpu.memory_space<vmem>>, vector<16xf32>,
    tpu.vector_store %arg11[%swap3A_203], %broadcast_in_dim3A_15 {strides = array<i32>} : memref<1056xf32, #tpu.memory_space<vmem>>, vector<16xf32>,
    %swap3A_205 = arith.constant 752 : index
    %swap3A_206 = tpu.vector_load %arg12[%swap3A_205] {strides = array<i32>} : memref<1056xf32, #tpu.memory_space<vmem>>, vector<16xf32>,
    tpu.vector_store %arg12[%swap3A_205], %broadcast_in_dim3A_15 {strides = array<i32>} : memref<1056xf32, #tpu.memory_space<vmem>>, vector<16xf32>,
    %swap3A_207 = arith.constant 768 : index
    %swap3A_208 = tpu.vector_load %arg11[%swap3A_207] {strides = array<i32>} : memref<1056xf32, #tpu.memory_space<vmem>>, vector<16xf32>,
    tpu.vector_store %arg11[%swap3A_207], %broadcast_in_dim3A_15 {strides = array<i32>} : memref<1056xf32, #tpu.memory_space<vmem>>, vector<16xf32>,
    %swap3A_209 = arith.constant 768 : index
    %swap3A_210 = tpu.vector_load %arg12[%swap3A_209] {strides = array<i32>} : memref<1056xf32, #tpu.memory_space<vmem>>, vector<16xf32>,
    tpu.vector_store %arg12[%swap3A_209], %broadcast_in_dim3A_15 {strides = array<i32>} : memref<1056xf32, #tpu.memory_space<vmem>>, vector<16xf32>,
    %swap3A_211 = arith.constant 784 : index
    %swap3A_212 = tpu.vector_load %arg11[%swap3A_211] {strides = array<i32>} : memref<1056xf32, #tpu.memory_space<vmem>>, vector<16xf32>,
    tpu.vector_store %arg11[%swap3A_211], %broadcast_in_dim3A_15 {strides = array<i32>} : memref<1056xf32, #tpu.memory_space<vmem>>, vector<16xf32>,
    %swap3A_213 = arith.constant 784 : index
    %swap3A_214 = tpu.vector_load %arg12[%swap3A_213] {strides = array<i32>} : memref<1056xf32, #tpu.memory_space<vmem>>, vector<16xf32>,
    tpu.vector_store %arg12[%swap3A_213], %broadcast_in_dim3A_15 {strides = array<i32>} : memref<1056xf32, #tpu.memory_space<vmem>>, vector<16xf32>,
    %swap3A_215 = arith.constant 800 : index
    %swap3A_216 = tpu.vector_load %arg11[%swap3A_215] {strides = array<i32>} : memref<1056xf32, #tpu.memory_space<vmem>>, vector<16xf32>,
    tpu.vector_store %arg11[%swap3A_215], %broadcast_in_dim3A_15 {strides = array<i32>} : memref<1056xf32, #tpu.memory_space<vmem>>, vector<16xf32>,
    %swap3A_217 = arith.constant 800 : index
    %swap3A_218 = tpu.vector_load %arg12[%swap3A_217] {strides = array<i32>} : memref<1056xf32, #tpu.memory_space<vmem>>, vector<16xf32>,
    tpu.vector_store %arg12[%swap3A_217], %broadcast_in_dim3A_15 {strides = array<i32>} : memref<1056xf32, #tpu.memory_space<vmem>>, vector<16xf32>,
    %swap3A_219 = arith.constant 816 : index
    %swap3A_220 = tpu.vector_load %arg11[%swap3A_219] {strides = array<i32>} : memref<1056xf32, #tpu.memory_space<vmem>>, vector<16xf32>,
    tpu.vector_store %arg11[%swap3A_219], %broadcast_in_dim3A_15 {strides = array<i32>} : memref<1056xf32, #tpu.memory_space<vmem>>, vector<16xf32>,
    %swap3A_221 = arith.constant 816 : index
    %swap3A_222 = tpu.vector_load %arg12[%swap3A_221] {strides = array<i32>} : memref<1056xf32, #tpu.memory_space<vmem>>, vector<16xf32>,
    tpu.vector_store %arg12[%swap3A_221], %broadcast_in_dim3A_15 {strides = array<i32>} : memref<1056xf32, #tpu.memory_space<vmem>>, vector<16xf32>,
    %swap3A_223 = arith.constant 832 : index
    %swap3A_224 = tpu.vector_load %arg11[%swap3A_223] {strides = array<i32>} : memref<1056xf32, #tpu.memory_space<vmem>>, vector<16xf32>,
    tpu.vector_store %arg11[%swap3A_223], %broadcast_in_dim3A_15 {strides = array<i32>} : memref<1056xf32, #tpu.memory_space<vmem>>, vector<16xf32>,
    %swap3A_225 = arith.constant 832 : index
    %swap3A_226 = tpu.vector_load %arg12[%swap3A_225] {strides = array<i32>} : memref<1056xf32, #tpu.memory_space<vmem>>, vector<16xf32>,
    tpu.vector_store %arg12[%swap3A_225], %broadcast_in_dim3A_15 {strides = array<i32>} : memref<1056xf32, #tpu.memory_space<vmem>>, vector<16xf32>,
    %swap3A_227 = arith.constant 848 : index
    %swap3A_228 = tpu.vector_load %arg11[%swap3A_227] {strides = array<i32>} : memref<1056xf32, #tpu.memory_space<vmem>>, vector<16xf32>,
    tpu.vector_store %arg11[%swap3A_227], %broadcast_in_dim3A_15 {strides = array<i32>} : memref<1056xf32, #tpu.memory_space<vmem>>, vector<16xf32>,
    %swap3A_229 = arith.constant 848 : index
    %swap3A_230 = tpu.vector_load %arg12[%swap3A_229] {strides = array<i32>} : memref<1056xf32, #tpu.memory_space<vmem>>, vector<16xf32>,
    tpu.vector_store %arg12[%swap3A_229], %broadcast_in_dim3A_15 {strides = array<i32>} : memref<1056xf32, #tpu.memory_space<vmem>>, vector<16xf32>,
    %swap3A_231 = arith.constant 864 : index
    %swap3A_232 = tpu.vector_load %arg11[%swap3A_231] {strides = array<i32>} : memref<1056xf32, #tpu.memory_space<vmem>>, vector<16xf32>,
    tpu.vector_store %arg11[%swap3A_231], %broadcast_in_dim3A_15 {strides = array<i32>} : memref<1056xf32, #tpu.memory_space<vmem>>, vector<16xf32>,
    %swap3A_233 = arith.constant 864 : index
    %swap3A_234 = tpu.vector_load %arg12[%swap3A_233] {strides = array<i32>} : memref<1056xf32, #tpu.memory_space<vmem>>, vector<16xf32>,
    tpu.vector_store %arg12[%swap3A_233], %broadcast_in_dim3A_15 {strides = array<i32>} : memref<1056xf32, #tpu.memory_space<vmem>>, vector<16xf32>,
    %swap3A_235 = arith.constant 880 : index
    %swap3A_236 = tpu.vector_load %arg11[%swap3A_235] {strides = array<i32>} : memref<1056xf32, #tpu.memory_space<vmem>>, vector<16xf32>,
    tpu.vector_store %arg11[%swap3A_235], %broadcast_in_dim3A_15 {strides = array<i32>} : memref<1056xf32, #tpu.memory_space<vmem>>, vector<16xf32>,
    %swap3A_237 = arith.constant 880 : index
    %swap3A_238 = tpu.vector_load %arg12[%swap3A_237] {strides = array<i32>} : memref<1056xf32, #tpu.memory_space<vmem>>, vector<16xf32>,
    tpu.vector_store %arg12[%swap3A_237], %broadcast_in_dim3A_15 {strides = array<i32>} : memref<1056xf32, #tpu.memory_space<vmem>>, vector<16xf32>,
    %swap3A_239 = arith.constant 896 : index
    %swap3A_240 = tpu.vector_load %arg11[%swap3A_239] {strides = array<i32>} : memref<1056xf32, #tpu.memory_space<vmem>>, vector<16xf32>,
    tpu.vector_store %arg11[%swap3A_239], %broadcast_in_dim3A_15 {strides = array<i32>} : memref<1056xf32, #tpu.memory_space<vmem>>, vector<16xf32>,
    %swap3A_241 = arith.constant 896 : index
    %swap3A_242 = tpu.vector_load %arg12[%swap3A_241] {strides = array<i32>} : memref<1056xf32, #tpu.memory_space<vmem>>, vector<16xf32>,
    tpu.vector_store %arg12[%swap3A_241], %broadcast_in_dim3A_15 {strides = array<i32>} : memref<1056xf32, #tpu.memory_space<vmem>>, vector<16xf32>,
    %swap3A_243 = arith.constant 912 : index
    %swap3A_244 = tpu.vector_load %arg11[%swap3A_243] {strides = array<i32>} : memref<1056xf32, #tpu.memory_space<vmem>>, vector<16xf32>,
    tpu.vector_store %arg11[%swap3A_243], %broadcast_in_dim3A_15 {strides = array<i32>} : memref<1056xf32, #tpu.memory_space<vmem>>, vector<16xf32>,
    %swap3A_245 = arith.constant 912 : index
    %swap3A_246 = tpu.vector_load %arg12[%swap3A_245] {strides = array<i32>} : memref<1056xf32, #tpu.memory_space<vmem>>, vector<16xf32>,
    tpu.vector_store %arg12[%swap3A_245], %broadcast_in_dim3A_15 {strides = array<i32>} : memref<1056xf32, #tpu.memory_space<vmem>>, vector<16xf32>,
    %swap3A_247 = arith.constant 928 : index
    %swap3A_248 = tpu.vector_load %arg11[%swap3A_247] {strides = array<i32>} : memref<1056xf32, #tpu.memory_space<vmem>>, vector<16xf32>,
    tpu.vector_store %arg11[%swap3A_247], %broadcast_in_dim3A_15 {strides = array<i32>} : memref<1056xf32, #tpu.memory_space<vmem>>, vector<16xf32>,
    %swap3A_249 = arith.constant 928 : index
    %swap3A_250 = tpu.vector_load %arg12[%swap3A_249] {strides = array<i32>} : memref<1056xf32, #tpu.memory_space<vmem>>, vector<16xf32>,
    tpu.vector_store %arg12[%swap3A_249], %broadcast_in_dim3A_15 {strides = array<i32>} : memref<1056xf32, #tpu.memory_space<vmem>>, vector<16xf32>,
    %swap3A_251 = arith.constant 944 : index
    %swap3A_252 = tpu.vector_load %arg11[%swap3A_251] {strides = array<i32>} : memref<1056xf32, #tpu.memory_space<vmem>>, vector<16xf32>,
    tpu.vector_store %arg11[%swap3A_251], %broadcast_in_dim3A_15 {strides = array<i32>} : memref<1056xf32, #tpu.memory_space<vmem>>, vector<16xf32>,
    %swap3A_253 = arith.constant 944 : index
    %swap3A_254 = tpu.vector_load %arg12[%swap3A_253] {strides = array<i32>} : memref<1056xf32, #tpu.memory_space<vmem>>, vector<16xf32>,
    tpu.vector_store %arg12[%swap3A_253], %broadcast_in_dim3A_15 {strides = array<i32>} : memref<1056xf32, #tpu.memory_space<vmem>>, vector<16xf32>,
    %swap3A_255 = arith.constant 960 : index
    %swap3A_256 = tpu.vector_load %arg11[%swap3A_255] {strides = array<i32>} : memref<1056xf32, #tpu.memory_space<vmem>>, vector<16xf32>,
    tpu.vector_store %arg11[%swap3A_255], %broadcast_in_dim3A_15 {strides = array<i32>} : memref<1056xf32, #tpu.memory_space<vmem>>, vector<16xf32>,
    %swap3A_257 = arith.constant 960 : index
    %swap3A_258 = tpu.vector_load %arg12[%swap3A_257] {strides = array<i32>} : memref<1056xf32, #tpu.memory_space<vmem>>, vector<16xf32>,
    tpu.vector_store %arg12[%swap3A_257], %broadcast_in_dim3A_15 {strides = array<i32>} : memref<1056xf32, #tpu.memory_space<vmem>>, vector<16xf32>,
    %swap3A_259 = arith.constant 976 : index
    %swap3A_260 = tpu.vector_load %arg11[%swap3A_259] {strides = array<i32>} : memref<1056xf32, #tpu.memory_space<vmem>>, vector<16xf32>,
    tpu.vector_store %arg11[%swap3A_259], %broadcast_in_dim3A_15 {strides = array<i32>} : memref<1056xf32, #tpu.memory_space<vmem>>, vector<16xf32>,
    %swap3A_261 = arith.constant 976 : index
    %swap3A_262 = tpu.vector_load %arg12[%swap3A_261] {strides = array<i32>} : memref<1056xf32, #tpu.memory_space<vmem>>, vector<16xf32>,
    tpu.vector_store %arg12[%swap3A_261], %broadcast_in_dim3A_15 {strides = array<i32>} : memref<1056xf32, #tpu.memory_space<vmem>>, vector<16xf32>,
    %swap3A_263 = arith.constant 992 : index
    %swap3A_264 = tpu.vector_load %arg11[%swap3A_263] {strides = array<i32>} : memref<1056xf32, #tpu.memory_space<vmem>>, vector<16xf32>,
    tpu.vector_store %arg11[%swap3A_263], %broadcast_in_dim3A_15 {strides = array<i32>} : memref<1056xf32, #tpu.memory_space<vmem>>, vector<16xf32>,
    %swap3A_265 = arith.constant 992 : index
    %swap3A_266 = tpu.vector_load %arg12[%swap3A_265] {strides = array<i32>} : memref<1056xf32, #tpu.memory_space<vmem>>, vector<16xf32>,
    tpu.vector_store %arg12[%swap3A_265], %broadcast_in_dim3A_15 {strides = array<i32>} : memref<1056xf32, #tpu.memory_space<vmem>>, vector<16xf32>,
    %swap3A_267 = arith.constant 1008 : index
    %swap3A_268 = tpu.vector_load %arg11[%swap3A_267] {strides = array<i32>} : memref<1056xf32, #tpu.memory_space<vmem>>, vector<16xf32>,
    tpu.vector_store %arg11[%swap3A_267], %broadcast_in_dim3A_15 {strides = array<i32>} : memref<1056xf32, #tpu.memory_space<vmem>>, vector<16xf32>,
    %swap3A_269 = arith.constant 1008 : index
    %swap3A_270 = tpu.vector_load %arg12[%swap3A_269] {strides = array<i32>} : memref<1056xf32, #tpu.memory_space<vmem>>, vector<16xf32>,
    tpu.vector_store %arg12[%swap3A_269], %broadcast_in_dim3A_15 {strides = array<i32>} : memref<1056xf32, #tpu.memory_space<vmem>>, vector<16xf32>,
    %swap3A_271 = arith.constant 1024 : index
    %swap3A_272 = tpu.vector_load %arg11[%swap3A_271] {strides = array<i32>} : memref<1056xf32, #tpu.memory_space<vmem>>, vector<16xf32>,
    tpu.vector_store %arg11[%swap3A_271], %broadcast_in_dim3A_15 {strides = array<i32>} : memref<1056xf32, #tpu.memory_space<vmem>>, vector<16xf32>,
    %swap3A_273 = arith.constant 1024 : index
    %swap3A_274 = tpu.vector_load %arg12[%swap3A_273] {strides = array<i32>} : memref<1056xf32, #tpu.memory_space<vmem>>, vector<16xf32>,
    tpu.vector_store %arg12[%swap3A_273], %broadcast_in_dim3A_15 {strides = array<i32>} : memref<1056xf32, #tpu.memory_space<vmem>>, vector<16xf32>,
    %swap3A_275 = arith.constant 1040 : index
    %swap3A_276 = tpu.vector_load %arg11[%swap3A_275] {strides = array<i32>} : memref<1056xf32, #tpu.memory_space<vmem>>, vector<16xf32>,
    tpu.vector_store %arg11[%swap3A_275], %broadcast_in_dim3A_15 {strides = array<i32>} : memref<1056xf32, #tpu.memory_space<vmem>>, vector<16xf32>,
    %swap3A_277 = arith.constant 1040 : index
    %swap3A_278 = tpu.vector_load %arg12[%swap3A_277] {strides = array<i32>} : memref<1056xf32, #tpu.memory_space<vmem>>, vector<16xf32>,
    tpu.vector_store %arg12[%swap3A_277], %broadcast_in_dim3A_15 {strides = array<i32>} : memref<1056xf32, #tpu.memory_space<vmem>>, vector<16xf32>,
    %eq3A = arith.constant 0 : i32
    %eq3A_279 = arith.cmpi eq, %and3A_0, %eq3A : i32
    %convert_element_type3A = arith.extui %eq3A_279 : i1 to i32
    %cond3A = arith.constant 0 : i32
    %cond3A_280 = arith.cmpi ne, %convert_element_type3A, %cond3A : i32
    scf.if %cond3A_280 {
      %iota3A = tpu.iota {dimensions = array<i32: 0>} : vector<16xi32>
      %eq3A_316 = arith.constant 0 : i32
      %eq3A_317 = vector.broadcast %eq3A_316 : i32 to vector<16xi32>
      %eq3A_318 = arith.cmpi eq, %iota3A, %eq3A_317 : vector<16xi32>
      %jit3A_319 = arith.constant 0.000000e+00 : f32
      %jit3A_320 = arith.constant -1.000000e+30 : f32
      %broadcast_in_dim3A_321 = vector.broadcast %jit3A_319 : f32 to vector<16xf32>
      %broadcast_in_dim3A_322 = vector.broadcast %jit3A_320 : f32 to vector<16xf32>
      %select_n3A = arith.select %eq3A_318, %broadcast_in_dim3A_321, %broadcast_in_dim3A_322 : vector<16xi1>, vector<16xf32>
      %swap3A_323 = arith.constant 16 : index
      %swap3A_324 = tpu.vector_load %arg11[%swap3A_323] {strides = array<i32>} : memref<1056xf32, #tpu.memory_space<vmem>>, vector<16xf32>,
      tpu.vector_store %arg11[%swap3A_323], %select_n3A {strides = array<i32>} : memref<1056xf32, #tpu.memory_space<vmem>>, vector<16xf32>,
    } else {
    }
    %scan3A = arith.constant 0 : i32
    %scan3A_281 = arith.constant 0 : i32
    %scan3A_282 = arith.constant 2048 : i32
    %scan3A_283 = arith.addi %scan3A_281, %scan3A_282 : i32
    %scan3A_284 = arith.constant 1 : i32
    %scan3A_285 = scf.for %scan3A_316 = %scan3A_281 to %scan3A_283 step %scan3A_284 iter_args(%scan3A_317 = %scan3A) -> (i32)  : i32 {
      %and3A_318 = arith.constant 7 : i32
      %and3A_319 = arith.andi %scan3A_316, %and3A_318 : i32
      %eq3A_320 = arith.constant 0 : i32
      %eq3A_321 = arith.cmpi eq, %and3A_319, %eq3A_320 : i32
      %convert_element_type3A_322 = arith.extui %eq3A_321 : i1 to i32
      %cond3A_323 = arith.constant 0 : i32
      %cond3A_324 = arith.cmpi ne, %convert_element_type3A_322, %cond3A_323 : i32
      scf.if %cond3A_324 {
        %shift_right_logical3A_344 = arith.constant 3 : i32
        %shift_right_logical3A_345 = arith.shrui %scan3A_316, %shift_right_logical3A_344 : i32
        %and3A_346 = arith.constant 1 : i32
        %and3A_347 = arith.andi %shift_right_logical3A_345, %and3A_346 : i32
        %eq3A_348 = arith.constant 0 : i32
        %eq3A_349 = arith.cmpi eq, %and3A_0, %eq3A_348 : i32
        %convert_element_type3A_350 = arith.extui %eq3A_349 : i1 to i32
        %cond3A_351 = arith.constant 0 : i32
        %cond3A_352 = arith.cmpi ne, %convert_element_type3A_350, %cond3A_351 : i32
        scf.if %cond3A_352 {
          "tpu.region"() ({
            %run_scoped3A = tpu.sem_alloc : memref<!tpu.dma_semaphore, #tpu.memory_space<semaphore_mem>>
            %dma_start3A = arith.constant 1040 : i32
            %dma_start3A_358 = tpu.memref_slice %arg11[%dma_start3A] : memref<1056xf32, #tpu.memory_space<vmem>> -> memref<16xf32, #tpu.memory_space<vmem>>
            %dma_start3A_359 = arith.constant 0 : i32
            %dma_start3A_360 = tpu.memref_slice %arg15[%add3A, %and3A_347, %dma_start3A_359] : memref<16x2x16xf32, #tpu.memory_space<vmem_shared>> -> memref<1x1x16xf32, #tpu.memory_space<vmem_shared>>
            %dma_start3A_361 = tpu.memref_squeeze %dma_start3A_360 : memref<1x1x16xf32, #tpu.memory_space<vmem_shared>> -> memref<16xf32, #tpu.memory_space<vmem_shared>>
            %dma_start3A_362 = arith.constant 0 : i32
            %dma_start3A_363 = tpu.memref_slice %arg15[%add3A, %and3A_347, %dma_start3A_362] : memref<16x2x16xf32, #tpu.memory_space<vmem_shared>> -> memref<1x1x16xf32, #tpu.memory_space<vmem_shared>>
            %dma_start3A_364 = tpu.memref_squeeze %dma_start3A_363 : memref<1x1x16xf32, #tpu.memory_space<vmem_shared>> -> memref<16xf32, #tpu.memory_space<vmem_shared>>
            %dma_start3A_365 = arith.constant 1040 : i32
            %dma_start3A_366 = tpu.memref_slice %arg11[%dma_start3A_365] : memref<1056xf32, #tpu.memory_space<vmem>> -> memref<16xf32, #tpu.memory_space<vmem>>
            tpu.enqueue_dma source(%dma_start3A_366 : memref<16xf32, #tpu.memory_space<vmem>>) target(%dma_start3A_364 : memref<16xf32, #tpu.memory_space<vmem_shared>>) target_semaphore(%run_scoped3A : memref<!tpu.dma_semaphore, #tpu.memory_space<semaphore_mem>>)
            %dma_wait3A = arith.constant 1040 : i32
            %dma_wait3A_367 = tpu.memref_slice %arg11[%dma_wait3A] : memref<1056xf32, #tpu.memory_space<vmem>> -> memref<16xf32, #tpu.memory_space<vmem>>
            %dma_wait3A_368 = arith.constant 0 : i32
            %dma_wait3A_369 = tpu.memref_slice %arg15[%add3A, %and3A_347, %dma_wait3A_368] : memref<16x2x16xf32, #tpu.memory_space<vmem_shared>> -> memref<1x1x16xf32, #tpu.memory_space<vmem_shared>>
            %dma_wait3A_370 = tpu.memref_squeeze %dma_wait3A_369 : memref<1x1x16xf32, #tpu.memory_space<vmem_shared>> -> memref<16xf32, #tpu.memory_space<vmem_shared>>
            %dma_wait3A_371 = arith.constant 0 : i32
            %dma_wait3A_372 = tpu.memref_slice %arg15[%add3A, %and3A_347, %dma_wait3A_371] : memref<16x2x16xf32, #tpu.memory_space<vmem_shared>> -> memref<1x1x16xf32, #tpu.memory_space<vmem_shared>>
            %dma_wait3A_373 = tpu.memref_squeeze %dma_wait3A_372 : memref<1x1x16xf32, #tpu.memory_space<vmem_shared>> -> memref<16xf32, #tpu.memory_space<vmem_shared>>
            %dma_wait3A_374 = arith.constant 1040 : i32
            %dma_wait3A_375 = tpu.memref_slice %arg11[%dma_wait3A_374] : memref<1056xf32, #tpu.memory_space<vmem>> -> memref<16xf32, #tpu.memory_space<vmem>>
            tpu.wait_dma2 semaphore(%run_scoped3A : memref<!tpu.dma_semaphore, #tpu.memory_space<semaphore_mem>>) src(%dma_wait3A_375 : memref<16xf32, #tpu.memory_space<vmem>>) dst(%dma_wait3A_373 : memref<16xf32, #tpu.memory_space<vmem_shared>>)
            tpu.yield
          }) : () -> ()
        } else {
        }
        %barrier3A = arith.constant 0 : index
        tpu.barrier barrier_id(%barrier3A)
        %eq3A_353 = arith.constant 1 : i32
        %eq3A_354 = arith.cmpi eq, %and3A_0, %eq3A_353 : i32
        %convert_element_type3A_355 = arith.extui %eq3A_354 : i1 to i32
        %cond3A_356 = arith.constant 0 : i32
        %cond3A_357 = arith.cmpi ne, %convert_element_type3A_355, %cond3A_356 : i32
        scf.if %cond3A_357 {
          "tpu.region"() ({
            %run_scoped3A = tpu.sem_alloc : memref<!tpu.dma_semaphore, #tpu.memory_space<semaphore_mem>>
            %dma_start3A = arith.constant 16 : i32
            %dma_start3A_358 = tpu.memref_slice %arg11[%dma_start3A] : memref<1056xf32, #tpu.memory_space<vmem>> -> memref<16xf32, #tpu.memory_space<vmem>>
            %dma_start3A_359 = arith.constant 0 : i32
            %dma_start3A_360 = tpu.memref_slice %arg15[%add3A, %and3A_347, %dma_start3A_359] : memref<16x2x16xf32, #tpu.memory_space<vmem_shared>> -> memref<1x1x16xf32, #tpu.memory_space<vmem_shared>>
            %dma_start3A_361 = tpu.memref_squeeze %dma_start3A_360 : memref<1x1x16xf32, #tpu.memory_space<vmem_shared>> -> memref<16xf32, #tpu.memory_space<vmem_shared>>
            %dma_start3A_362 = arith.constant 16 : i32
            %dma_start3A_363 = tpu.memref_slice %arg11[%dma_start3A_362] : memref<1056xf32, #tpu.memory_space<vmem>> -> memref<16xf32, #tpu.memory_space<vmem>>
            %dma_start3A_364 = arith.constant 0 : i32
            %dma_start3A_365 = tpu.memref_slice %arg15[%add3A, %and3A_347, %dma_start3A_364] : memref<16x2x16xf32, #tpu.memory_space<vmem_shared>> -> memref<1x1x16xf32, #tpu.memory_space<vmem_shared>>
            %dma_start3A_366 = tpu.memref_squeeze %dma_start3A_365 : memref<1x1x16xf32, #tpu.memory_space<vmem_shared>> -> memref<16xf32, #tpu.memory_space<vmem_shared>>
            tpu.enqueue_dma source(%dma_start3A_366 : memref<16xf32, #tpu.memory_space<vmem_shared>>) target(%dma_start3A_363 : memref<16xf32, #tpu.memory_space<vmem>>) target_semaphore(%run_scoped3A : memref<!tpu.dma_semaphore, #tpu.memory_space<semaphore_mem>>)
            %dma_wait3A = arith.constant 16 : i32
            %dma_wait3A_367 = tpu.memref_slice %arg11[%dma_wait3A] : memref<1056xf32, #tpu.memory_space<vmem>> -> memref<16xf32, #tpu.memory_space<vmem>>
            %dma_wait3A_368 = arith.constant 0 : i32
            %dma_wait3A_369 = tpu.memref_slice %arg15[%add3A, %and3A_347, %dma_wait3A_368] : memref<16x2x16xf32, #tpu.memory_space<vmem_shared>> -> memref<1x1x16xf32, #tpu.memory_space<vmem_shared>>
            %dma_wait3A_370 = tpu.memref_squeeze %dma_wait3A_369 : memref<1x1x16xf32, #tpu.memory_space<vmem_shared>> -> memref<16xf32, #tpu.memory_space<vmem_shared>>
            %dma_wait3A_371 = arith.constant 16 : i32
            %dma_wait3A_372 = tpu.memref_slice %arg11[%dma_wait3A_371] : memref<1056xf32, #tpu.memory_space<vmem>> -> memref<16xf32, #tpu.memory_space<vmem>>
            %dma_wait3A_373 = arith.constant 0 : i32
            %dma_wait3A_374 = tpu.memref_slice %arg15[%add3A, %and3A_347, %dma_wait3A_373] : memref<16x2x16xf32, #tpu.memory_space<vmem_shared>> -> memref<1x1x16xf32, #tpu.memory_space<vmem_shared>>
            %dma_wait3A_375 = tpu.memref_squeeze %dma_wait3A_374 : memref<1x1x16xf32, #tpu.memory_space<vmem_shared>> -> memref<16xf32, #tpu.memory_space<vmem_shared>>
            tpu.wait_dma2 semaphore(%run_scoped3A : memref<!tpu.dma_semaphore, #tpu.memory_space<semaphore_mem>>) src(%dma_wait3A_375 : memref<16xf32, #tpu.memory_space<vmem_shared>>) dst(%dma_wait3A_372 : memref<16xf32, #tpu.memory_space<vmem>>)
            tpu.yield
          }) : () -> ()
        } else {
        }
      } else {
      }
      %mul3A_325 = arith.constant 2 : i32
      %mul3A_326 = arith.muli %mul3A_325, %scan3A_316 : i32
      %mul3A_327 = arith.constant 5 : i32
      %mul3A_328 = arith.muli %mul3A_326, %mul3A_327 : i32
      %broadcast_in_dim3A_329 = vector.broadcast %mul3A_328 : i32 to vector<16xi32>
      %parallel_loop3A_330 = arith.constant 0 : i32
      %parallel_loop3A_331 = arith.constant 1040 : i32
      %parallel_loop3A_332 = arith.constant 16 : i32
      scf.for %parallel_loop3A_344 = %parallel_loop3A_330 to %parallel_loop3A_331 step %parallel_loop3A_332  : i32 {
        %parallel_loop3A_345 = arith.addi %mul3A_4, %parallel_loop3A_344 : i32
        %parallel_loop3A_346 = arith.index_cast %parallel_loop3A_345 : i32 to index
        %parallel_loop3A_347 = tpu.vector_load %arg10[%parallel_loop3A_346] {strides = array<i32>} : memref<2064xi32, #tpu.memory_space<vmem>>, vector<16xi32>,
        %parallel_loop3A_348 = arith.addi %parallel_loop3A_347, %broadcast_in_dim3A_329 : vector<16xi32>
        %parallel_loop3A_349 = tpu.vector_load_idx %arg8[%parallel_loop3A_348] : memref<20480xf32, #tpu.memory_space<vmem>>[vector<16xi32>], vector<16xf32>,
        %parallel_loop3A_350 = arith.constant 16 : i32
        %parallel_loop3A_351 = arith.addi %parallel_loop3A_344, %parallel_loop3A_350 : i32
        %parallel_loop3A_352 = arith.constant 1 : i32
        %parallel_loop3A_353 = arith.subi %parallel_loop3A_351, %parallel_loop3A_352 : i32
        %parallel_loop3A_354 = arith.index_cast %parallel_loop3A_353 : i32 to index
        %parallel_loop3A_355 = tpu.vector_load %arg11[%parallel_loop3A_354] {strides = array<i32>} : memref<1056xf32, #tpu.memory_space<vmem>>, vector<16xf32>,
        %parallel_loop3A_356 = arith.constant 16 : i32
        %parallel_loop3A_357 = arith.addi %parallel_loop3A_344, %parallel_loop3A_356 : i32
        %parallel_loop3A_358 = arith.index_cast %parallel_loop3A_357 : i32 to index
        %parallel_loop3A_359 = tpu.vector_load %arg11[%parallel_loop3A_358] {strides = array<i32>} : memref<1056xf32, #tpu.memory_space<vmem>>, vector<16xf32>,
        %parallel_loop3A_360 = arith.addf %parallel_loop3A_349, %parallel_loop3A_355 : vector<16xf32>
        %parallel_loop3A_361 = arith.maximumf %parallel_loop3A_360, %parallel_loop3A_359 : vector<16xf32>
        %parallel_loop3A_362 = arith.minimumf %parallel_loop3A_360, %parallel_loop3A_359 : vector<16xf32>
        %parallel_loop3A_363 = arith.subf %parallel_loop3A_362, %parallel_loop3A_361 : vector<16xf32>
        %parallel_loop3A_364 = math.exp %parallel_loop3A_363 : vector<16xf32>
        %parallel_loop3A_365 = arith.constant 0.0415480472 : f32
        %parallel_loop3A_366 = vector.broadcast %parallel_loop3A_365 : f32 to vector<16xf32>
        %parallel_loop3A_367 = arith.mulf %parallel_loop3A_366, %parallel_loop3A_364 : vector<16xf32>
        %parallel_loop3A_368 = arith.constant -0.157832131 : f32
        %parallel_loop3A_369 = vector.broadcast %parallel_loop3A_368 : f32 to vector<16xf32>
        %parallel_loop3A_370 = arith.addf %parallel_loop3A_367, %parallel_loop3A_369 : vector<16xf32>
        %parallel_loop3A_371 = arith.mulf %parallel_loop3A_370, %parallel_loop3A_364 : vector<16xf32>
        %parallel_loop3A_372 = arith.constant 0.30655691 : f32
        %parallel_loop3A_373 = vector.broadcast %parallel_loop3A_372 : f32 to vector<16xf32>
        %parallel_loop3A_374 = arith.addf %parallel_loop3A_371, %parallel_loop3A_373 : vector<16xf32>
        %parallel_loop3A_375 = arith.mulf %parallel_loop3A_374, %parallel_loop3A_364 : vector<16xf32>
        %parallel_loop3A_376 = arith.constant -0.497029811 : f32
        %parallel_loop3A_377 = vector.broadcast %parallel_loop3A_376 : f32 to vector<16xf32>
        %parallel_loop3A_378 = arith.addf %parallel_loop3A_375, %parallel_loop3A_377 : vector<16xf32>
        %parallel_loop3A_379 = arith.mulf %parallel_loop3A_378, %parallel_loop3A_364 : vector<16xf32>
        %parallel_loop3A_380 = arith.constant 0.999944925 : f32
        %parallel_loop3A_381 = vector.broadcast %parallel_loop3A_380 : f32 to vector<16xf32>
        %parallel_loop3A_382 = arith.addf %parallel_loop3A_379, %parallel_loop3A_381 : vector<16xf32>
        %parallel_loop3A_383 = arith.mulf %parallel_loop3A_364, %parallel_loop3A_382 : vector<16xf32>
        %parallel_loop3A_384 = arith.addf %parallel_loop3A_361, %parallel_loop3A_383 : vector<16xf32>
        %parallel_loop3A_385 = arith.constant 16 : i32
        %parallel_loop3A_386 = arith.addi %parallel_loop3A_344, %parallel_loop3A_385 : i32
        %parallel_loop3A_387 = arith.index_cast %parallel_loop3A_386 : i32 to index
        %parallel_loop3A_388 = tpu.vector_load %arg12[%parallel_loop3A_387] {strides = array<i32>} : memref<1056xf32, #tpu.memory_space<vmem>>, vector<16xf32>,
        tpu.vector_store %arg12[%parallel_loop3A_387], %parallel_loop3A_384 {strides = array<i32>} : memref<1056xf32, #tpu.memory_space<vmem>>, vector<16xf32>,
      } {sc.loop_unroll_factor = 4 : i64, sc.parallel_access}
      %mul3A_333 = arith.constant 2 : i32
      %mul3A_334 = arith.muli %mul3A_333, %scan3A_316 : i32
      %add3A_335 = arith.constant 1 : i32
      %add3A_336 = arith.addi %mul3A_334, %add3A_335 : i32
      %mul3A_337 = arith.constant 5 : i32
      %mul3A_338 = arith.muli %add3A_336, %mul3A_337 : i32
      %broadcast_in_dim3A_339 = vector.broadcast %mul3A_338 : i32 to vector<16xi32>
      %parallel_loop3A_340 = arith.constant 0 : i32
      %parallel_loop3A_341 = arith.constant 1040 : i32
      %parallel_loop3A_342 = arith.constant 16 : i32
      scf.for %parallel_loop3A_344 = %parallel_loop3A_340 to %parallel_loop3A_341 step %parallel_loop3A_342  : i32 {
        %parallel_loop3A_345 = arith.addi %mul3A_4, %parallel_loop3A_344 : i32
        %parallel_loop3A_346 = arith.index_cast %parallel_loop3A_345 : i32 to index
        %parallel_loop3A_347 = tpu.vector_load %arg10[%parallel_loop3A_346] {strides = array<i32>} : memref<2064xi32, #tpu.memory_space<vmem>>, vector<16xi32>,
        %parallel_loop3A_348 = arith.addi %parallel_loop3A_347, %broadcast_in_dim3A_339 : vector<16xi32>
        %parallel_loop3A_349 = tpu.vector_load_idx %arg8[%parallel_loop3A_348] : memref<20480xf32, #tpu.memory_space<vmem>>[vector<16xi32>], vector<16xf32>,
        %parallel_loop3A_350 = arith.constant 16 : i32
        %parallel_loop3A_351 = arith.addi %parallel_loop3A_344, %parallel_loop3A_350 : i32
        %parallel_loop3A_352 = arith.constant 1 : i32
        %parallel_loop3A_353 = arith.subi %parallel_loop3A_351, %parallel_loop3A_352 : i32
        %parallel_loop3A_354 = arith.index_cast %parallel_loop3A_353 : i32 to index
        %parallel_loop3A_355 = tpu.vector_load %arg12[%parallel_loop3A_354] {strides = array<i32>} : memref<1056xf32, #tpu.memory_space<vmem>>, vector<16xf32>,
        %parallel_loop3A_356 = arith.constant 16 : i32
        %parallel_loop3A_357 = arith.addi %parallel_loop3A_344, %parallel_loop3A_356 : i32
        %parallel_loop3A_358 = arith.index_cast %parallel_loop3A_357 : i32 to index
        %parallel_loop3A_359 = tpu.vector_load %arg12[%parallel_loop3A_358] {strides = array<i32>} : memref<1056xf32, #tpu.memory_space<vmem>>, vector<16xf32>,
        %parallel_loop3A_360 = arith.addf %parallel_loop3A_349, %parallel_loop3A_355 : vector<16xf32>
        %parallel_loop3A_361 = arith.maximumf %parallel_loop3A_360, %parallel_loop3A_359 : vector<16xf32>
        %parallel_loop3A_362 = arith.minimumf %parallel_loop3A_360, %parallel_loop3A_359 : vector<16xf32>
        %parallel_loop3A_363 = arith.subf %parallel_loop3A_362, %parallel_loop3A_361 : vector<16xf32>
        %parallel_loop3A_364 = math.exp %parallel_loop3A_363 : vector<16xf32>
        %parallel_loop3A_365 = arith.constant 0.0415480472 : f32
        %parallel_loop3A_366 = vector.broadcast %parallel_loop3A_365 : f32 to vector<16xf32>
        %parallel_loop3A_367 = arith.mulf %parallel_loop3A_366, %parallel_loop3A_364 : vector<16xf32>
        %parallel_loop3A_368 = arith.constant -0.157832131 : f32
        %parallel_loop3A_369 = vector.broadcast %parallel_loop3A_368 : f32 to vector<16xf32>
        %parallel_loop3A_370 = arith.addf %parallel_loop3A_367, %parallel_loop3A_369 : vector<16xf32>
        %parallel_loop3A_371 = arith.mulf %parallel_loop3A_370, %parallel_loop3A_364 : vector<16xf32>
        %parallel_loop3A_372 = arith.constant 0.30655691 : f32
        %parallel_loop3A_373 = vector.broadcast %parallel_loop3A_372 : f32 to vector<16xf32>
        %parallel_loop3A_374 = arith.addf %parallel_loop3A_371, %parallel_loop3A_373 : vector<16xf32>
        %parallel_loop3A_375 = arith.mulf %parallel_loop3A_374, %parallel_loop3A_364 : vector<16xf32>
        %parallel_loop3A_376 = arith.constant -0.497029811 : f32
        %parallel_loop3A_377 = vector.broadcast %parallel_loop3A_376 : f32 to vector<16xf32>
        %parallel_loop3A_378 = arith.addf %parallel_loop3A_375, %parallel_loop3A_377 : vector<16xf32>
        %parallel_loop3A_379 = arith.mulf %parallel_loop3A_378, %parallel_loop3A_364 : vector<16xf32>
        %parallel_loop3A_380 = arith.constant 0.999944925 : f32
        %parallel_loop3A_381 = vector.broadcast %parallel_loop3A_380 : f32 to vector<16xf32>
        %parallel_loop3A_382 = arith.addf %parallel_loop3A_379, %parallel_loop3A_381 : vector<16xf32>
        %parallel_loop3A_383 = arith.mulf %parallel_loop3A_364, %parallel_loop3A_382 : vector<16xf32>
        %parallel_loop3A_384 = arith.addf %parallel_loop3A_361, %parallel_loop3A_383 : vector<16xf32>
        %parallel_loop3A_385 = arith.constant 16 : i32
        %parallel_loop3A_386 = arith.addi %parallel_loop3A_344, %parallel_loop3A_385 : i32
        %parallel_loop3A_387 = arith.index_cast %parallel_loop3A_386 : i32 to index
        %parallel_loop3A_388 = tpu.vector_load %arg11[%parallel_loop3A_387] {strides = array<i32>} : memref<1056xf32, #tpu.memory_space<vmem>>, vector<16xf32>,
        tpu.vector_store %arg11[%parallel_loop3A_387], %parallel_loop3A_384 {strides = array<i32>} : memref<1056xf32, #tpu.memory_space<vmem>>, vector<16xf32>,
      } {sc.loop_unroll_factor = 4 : i64, sc.parallel_access}
      %scan3A_343 = arith.constant 0 : i32
      scf.yield %scan3A_343 : i32
    }
    %scan3A_286 = arith.constant 2048 : i32
    %broadcast_in_dim3A_287 = vector.broadcast %add3A : i32 to vector<16xi32>
    %gather3A = tpu.vector_load_idx %arg13[%broadcast_in_dim3A_287] : memref<16xi32, #tpu.memory_space<vmem>>[vector<16xi32>], vector<16xi32>,
    %reduce_max3A = arith.constant true
    %reduce_max3A_288 = vector.broadcast %reduce_max3A : i1 to vector<16xi1>
    %reduce_max3A_289 = arith.constant -2147483648 : i32
    %reduce_max3A_290 = vector.broadcast %reduce_max3A_289 : i32 to vector<16xi32>
    %reduce_max3A_291 = arith.xori %gather3A, %reduce_max3A_290 : vector<16xi32>
    %reduce_max3A_292 = tpu.scan <max>, %reduce_max3A_291 masked %reduce_max3A_288 : vector<16xi32>, vector<16xi1> -> vector<16xi32>
    %reduce_max3A_293 = arith.xori %reduce_max3A_292, %reduce_max3A_290 : vector<16xi32>
    %reduce_max3A_294 = vector.extract %reduce_max3A_293[15] : i32 from vector<16xi32>
    %mul3A_295 = arith.constant 1024 : i32
    %mul3A_296 = arith.muli %and3A_0, %mul3A_295 : i32
    %sub3A = vector.broadcast %mul3A_296 : i32 to vector<16xi32>
    %sub3A_297 = arith.subi %gather3A, %sub3A : vector<16xi32>
    %jit3A = arith.constant 0 : i32
    %jit3A_298 = arith.constant 1039 : i32
    %max3A = vector.broadcast %jit3A : i32 to vector<16xi32>
    %max3A_299 = arith.maxsi %max3A, %sub3A_297 : vector<16xi32>
    %min3A = vector.broadcast %jit3A_298 : i32 to vector<16xi32>
    %min3A_300 = arith.minsi %min3A, %max3A_299 : vector<16xi32>
    %add3A_301 = arith.constant 16 : i32
    %add3A_302 = vector.broadcast %add3A_301 : i32 to vector<16xi32>
    %add3A_303 = arith.addi %min3A_300, %add3A_302 : vector<16xi32>
    %gather3A_304 = tpu.vector_load_idx %arg11[%add3A_303] : memref<1056xf32, #tpu.memory_space<vmem>>[vector<16xi32>], vector<16xf32>,
    %eq3A_305 = arith.constant 0 : i32
    %eq3A_306 = arith.cmpi eq, %and3A_0, %eq3A_305 : i32
    %lt3A = arith.constant 1040 : i32
    %lt3A_307 = arith.cmpi slt, %reduce_max3A_294, %lt3A : i32
    %and3A_308 = arith.andi %eq3A_306, %lt3A_307 : i1
    %eq3A_309 = arith.constant 1 : i32
    %eq3A_310 = arith.cmpi eq, %and3A_0, %eq3A_309 : i32
    %ge3A = arith.constant 1040 : i32
    %ge3A_311 = arith.cmpi sge, %reduce_max3A_294, %ge3A : i32
    %and3A_312 = arith.andi %eq3A_310, %ge3A_311 : i1
    %or3A = arith.ori %and3A_308, %and3A_312 : i1
    %convert_element_type3A_313 = arith.extui %or3A : i1 to i32
    %cond3A_314 = arith.constant 0 : i32
    %cond3A_315 = arith.cmpi ne, %convert_element_type3A_313, %cond3A_314 : i32
    scf.if %cond3A_315 {
      %add3A_316 = vector.broadcast %mul3A_13 : f32 to vector<16xf32>
      %add3A_317 = arith.addf %gather3A_304, %add3A_316 : vector<16xf32>
      %mul3A_318 = arith.constant -2.44140625E-4 : f32
      %mul3A_319 = vector.broadcast %mul3A_318 : f32 to vector<16xf32>
      %mul3A_320 = arith.mulf %add3A_317, %mul3A_319 : vector<16xf32>
      %swap3A_321 = arith.constant 0 : index
      %swap3A_322 = tpu.vector_load %arg14[%swap3A_321] {strides = array<i32>} : memref<128xf32, #tpu.memory_space<vmem>>, vector<16xf32>,
      tpu.vector_store %arg14[%swap3A_321], %mul3A_320 {strides = array<i32>} : memref<128xf32, #tpu.memory_space<vmem>>, vector<16xf32>,
      "tpu.region"() ({
        %run_scoped3A = tpu.sem_alloc : memref<!tpu.dma_semaphore, #tpu.memory_space<semaphore_mem>>
        %dma_start3A = arith.constant 0 : i32
        %dma_start3A_323 = tpu.memref_slice %arg6[%add3A, %dma_start3A] : memref<16x128xf32, #tpu.memory_space<hbm>> -> memref<1x128xf32, #tpu.memory_space<hbm>>
        %dma_start3A_324 = tpu.memref_squeeze %dma_start3A_323 : memref<1x128xf32, #tpu.memory_space<hbm>> -> memref<128xf32, #tpu.memory_space<hbm>>
        %dma_start3A_325 = arith.constant 0 : i32
        %dma_start3A_326 = tpu.memref_slice %arg6[%add3A, %dma_start3A_325] : memref<16x128xf32, #tpu.memory_space<hbm>> -> memref<1x128xf32, #tpu.memory_space<hbm>>
        %dma_start3A_327 = tpu.memref_squeeze %dma_start3A_326 : memref<1x128xf32, #tpu.memory_space<hbm>> -> memref<128xf32, #tpu.memory_space<hbm>>
        tpu.enqueue_dma source(%arg14 : memref<128xf32, #tpu.memory_space<vmem>>) target(%dma_start3A_327 : memref<128xf32, #tpu.memory_space<hbm>>) target_semaphore(%run_scoped3A : memref<!tpu.dma_semaphore, #tpu.memory_space<semaphore_mem>>)
        %dma_wait3A = arith.constant 0 : i32
        %dma_wait3A_328 = tpu.memref_slice %arg6[%add3A, %dma_wait3A] : memref<16x128xf32, #tpu.memory_space<hbm>> -> memref<1x128xf32, #tpu.memory_space<hbm>>
        %dma_wait3A_329 = tpu.memref_squeeze %dma_wait3A_328 : memref<1x128xf32, #tpu.memory_space<hbm>> -> memref<128xf32, #tpu.memory_space<hbm>>
        %dma_wait3A_330 = arith.constant 0 : i32
        %dma_wait3A_331 = tpu.memref_slice %arg6[%add3A, %dma_wait3A_330] : memref<16x128xf32, #tpu.memory_space<hbm>> -> memref<1x128xf32, #tpu.memory_space<hbm>>
        %dma_wait3A_332 = tpu.memref_squeeze %dma_wait3A_331 : memref<1x128xf32, #tpu.memory_space<hbm>> -> memref<128xf32, #tpu.memory_space<hbm>>
        tpu.wait_dma2 semaphore(%run_scoped3A : memref<!tpu.dma_semaphore, #tpu.memory_space<semaphore_mem>>) src(%arg14 : memref<128xf32, #tpu.memory_space<vmem>>) dst(%dma_wait3A_332 : memref<128xf32, #tpu.memory_space<hbm>>)
        tpu.yield
      }) : () -> ()
    } else {
    }
    return
  }
}

</mosaic_0001>

<sc_bundles>
// kernel: _ctc_sc.3.cloned.1.call-start
scs
__scs_entry_jumppad:
0x0: {  	(pc) =	sbr.rel $0x88, $3  }
0x1: {  	(tag) =	ssettag $0x0;
	lr =	simm.s32 $0x1  }
0x2: {  	[smem:$0x3F9D] =	sst lr;
	_ =	strace $0xD0000000  }
0x3: {  	_ = 	snop  }
0x4: {  	_ = 	snop  }
0x5: {  	_ = 	snop  }
0x6: {  	_ = 	snop  }
0x7: {  	_ = 	snop  }
__scs_overlays_trampoline_lowered:
0x8: {  	[smem:$0x3FAC] =	sst s0  }
0x9: {  	[smem:$0x3FAD] =	sst s1  }
0xa: {  	[smem:$0x3FAE] =	sst s2  }
0xb: {  	[smem:$0x3FAF] =	sst s3  }
0xc: {  	[smem:$0x3FB0] =	sst s4  }
0xd: {  	[smem:$0x3FB1] =	sst s5  }
0xe: {  	[smem:$0x3FB2] =	sst s6  }
0xf: {  	[smem:$0x3FB3] =	sst s7  }
0x10: {  	[smem:$0x3FB4] =	sst s8  }
0x11: {  	[smem:$0x3FB5] =	sst s9;
	s0 =	simm.s32 @!p0 $0x0  }
0x12: {  	s1 =	sld [smem:$0x3F9B];
	s0 =	simm.s32 @p0 $0x1  }
0x13: {  	[smem:$0x3FB6] =	sst s0;
	s0 =	simm.s32 @!p1 $0x0  }
0x14: {  	s2 =	sld [smem:$0x3F9A];
	s0 =	simm.s32 @p1 $0x1  }
0x15: {  	[smem:$0x3FB7] =	sst s0;
	s0 =	simm.s32 @!p2 $0x0  }
0x16: {  	s3 =	sld [smem:$0x3FDB];
	s0 =	simm.s32 @p2 $0x1  }
0x17: {  	s4 =	simm.s32 $0x1BF5;
	[smem:$0x3FB9] =	sst s0  }
0x18: {  	s0 =	sld [smem:$0x3F9C];
	_ =	swait.ge [sflag:s4], $0x0  }
0x19: {  	s7 =	sld [smem:$0x3F9D]  }
0x1a: {  	s8 =	sadd.s32 $0xFFFFE003, lr  }
0x1b: {  	s9 =	sadd.s32 $0xFFFFFEF7, lr;
	s5 =	simm.s32 $0xFFFFFFFF;
	p2 =	slt.u32 s8, $0xFFFFF086  }
0x1c: {  	p1 =	slt.u32 s9, $0xF7A;
	s5 =	simm.s32 @!p2 $0x0  }
0x1d: {  	s5 =	simm.s32 @p1 $0x1;
	p0 =	seq.s32 s7, s2  }
0x1e: {  	s7 =	smul.u32 @!p0 $0xF7A, s2;
	p2 =	seq.s32 @!p0 s5, $0x0  }
0x1f: {  	s9 =	smul.u32 $0xF7A, s1;
	s8 =	simm.s32 @!p0 $0x1BF5;
	p2 =	por !p2, p0  }
0x20: {  	[sflag:s8] =	ssyncset.s32 @!p0 $0xFFFFF086;
	s6 =	sadd.s32 @!p0 s3, s7;
	s7 =	simm.s32 @!p0 $0x108  }
0x21: {  	s3 =	sadd.s32 s3, s9;
	s6 =	sadd.s32 @!p0 $0x88, s6;
	s7 =	simm.s32 @p2 $0x1082  }
0x22: {  	[simem:s7], [sflag:s8] =	dma.local @!p0 [hbm:s6], $0xF7A  }
0x23: {  	s9 =	sor.u32 $0xD0000000, s2;
	s6 =	simm.s32 $0x108;
	_ =	swait.ge @!p0 [sflag:s8], $0x0  }
0x24: {  	s3 =	sadd.s32 $0x88, s3;
	s6 =	simm.s32 @!p1 $0x1082;
	[sflag:s4] =	ssyncset.s32 $0xFFFFF086  }
0x25: {  	[simem:s6], [sflag:s4] =	dma.local [hbm:s3], $0xF7A  }
0x26: {  	[smem:$0x3F9D] =	sst s1;
	(tag) =	ssettag s2;
	_ =	strace s9  }
0x27: {  	s1 =	sld [smem:$0x3FAD]  }
0x28: {  	s2 =	sld [smem:$0x3FAE]  }
0x29: {  	s4 =	sld [smem:$0x3FB0]  }
0x2a: {  	p0 =	seq.s32 s5, $0x0;
	s5 =	sld [smem:$0x3FB1]  }
0x2b: {  	s6 =	sld [smem:$0x3FB2]  }
0x2c: {  	s7 =	sld [smem:$0x3FB3]  }
0x2d: {  	s3 =	simm.s32 $0x108;
	s8 =	sld [smem:$0x3FB4]  }
0x2e: {  	s3 =	simm.s32 @!p0 $0x1082;
	s9 =	sld [smem:$0x3FB5]  }
0x2f: {  	lr =	sadd.s32 s0, s3;
	s0 =	sld [smem:$0x3FAC]  }
0x30: {  	s3 =	sld [smem:$0x3FAF]  }
0x31: {  	[smem:$0x3FB8] =	sst s10  }
0x32: {  	s10 =	sld [smem:$0x3FB6];
	_ =	sdelay $0x3  }
0x33: {  	p0 =	seq.s32 s10, $0x1;
	s10 =	sld [smem:$0x3FB8];
	_ =	sdelay $0x3  }
0x34: {  	[smem:$0x3FB8] =	sst s10  }
0x35: {  	s10 =	sld [smem:$0x3FB7];
	_ =	sdelay $0x3  }
0x36: {  	p1 =	seq.s32 s10, $0x1;
	s10 =	sld [smem:$0x3FB8];
	_ =	sdelay $0x3  }
0x37: {  	[smem:$0x3FB8] =	sst s10  }
0x38: {  	s10 =	sld [smem:$0x3FB9]  }
0x39: {  	_ = 	snop;
	(pc) =	sbr.ind lr, $3  }
0x3a: {  	_ = 	snop  }
0x3b: {  	_ = 	snop  }
0x3c: {  	p2 =	seq.s32 s10, $0x1;
	s10 =	sld [smem:$0x3FB8]  }
0x3d: {  	_ =	shalt  }
0x3e: {  	_ =	shalt  }
0x3f: {  	_ =	shalt  }
0x40: {  	_ =	shalt  }
0x41: {  	_ =	shalt  }
0x42: {  	_ =	shalt  }
0x43: {  	_ =	shalt  }
0x44: {  	_ =	shalt  }
0x45: {  	_ =	shalt  }
0x46: {  	_ =	shalt  }
0x47: {  	_ =	shalt  }
0x48: {  	_ =	shalt  }
0x49: {  	_ =	shalt  }
0x4a: {  	_ =	shalt  }
0x4b: {  	_ =	shalt  }
0x4c: {  	_ =	shalt  }
0x4d: {  	_ =	shalt  }
0x4e: {  	_ =	shalt  }
0x4f: {  	_ =	shalt  }
0x50: {  	_ =	shalt  }
0x51: {  	_ =	shalt  }
0x52: {  	_ =	shalt  }
0x53: {  	_ =	shalt  }
0x54: {  	_ =	shalt  }
0x55: {  	_ =	shalt  }
0x56: {  	_ =	shalt  }
0x57: {  	_ =	shalt  }
0x58: {  	_ =	shalt  }
0x59: {  	_ =	shalt  }
0x5a: {  	_ =	shalt  }
0x5b: {  	_ =	shalt  }
0x5c: {  	_ =	shalt  }
0x5d: {  	_ =	shalt  }
0x5e: {  	_ =	shalt  }
0x5f: {  	_ =	shalt  }
0x60: {  	_ =	shalt  }
0x61: {  	_ =	shalt  }
0x62: {  	_ =	shalt  }
0x63: {  	_ =	shalt  }
0x64: {  	_ =	shalt  }
0x65: {  	_ =	shalt  }
0x66: {  	_ =	shalt  }
0x67: {  	_ =	shalt  }
0x68: {  	_ =	shalt  }
0x69: {  	_ =	shalt  }
0x6a: {  	_ =	shalt  }
0x6b: {  	_ =	shalt  }
0x6c: {  	_ =	shalt  }
0x6d: {  	_ =	shalt  }
0x6e: {  	_ =	shalt  }
0x6f: {  	_ =	shalt  }
0x70: {  	_ =	shalt  }
0x71: {  	_ =	shalt  }
0x72: {  	_ =	shalt  }
0x73: {  	_ =	shalt  }
0x74: {  	_ =	shalt  }
0x75: {  	_ =	shalt  }
0x76: {  	_ =	shalt  }
0x77: {  	_ =	shalt  }
0x78: {  	_ =	shalt  }
0x79: {  	_ =	shalt  }
0x7a: {  	_ =	shalt  }
0x7b: {  	_ =	shalt  }
0x7c: {  	_ =	shalt  }
0x7d: {  	_ =	shalt  }
0x7e: {  	_ =	shalt  }
0x7f: {  	_ =	shalt  }
0x80: {  	_ =	shalt  }
0x81: {  	_ =	shalt  }
0x82: {  	_ =	shalt  }
0x83: {  	_ =	shalt  }
0x84: {  	_ =	shalt  }
0x85: {  	_ =	shalt  }
0x86: {  	_ =	shalt  }
0x87: {  	_ =	shalt  }
.Lfunc_end0:
.L_simem_size_0:
called_computation_lowered:
.L_overlay_start_0:
0x88: {  	s2 =	sld [smem:$0x3FD9]  }
0x89: {  	s3 =	sld [smem:$0x3FFE];
	_ =	sdelay $0x1  }
0x8a: {  	s1 =	srdreg.scid  }
0x8b: {  	s0 =	sand.u32 $0x1, s1  }
0x8c: {  	s18 =	sshll.u32 s0, $0xA;
	s2 =	sadd.s32 s3, s2  }
0x8d: {  	s2 =	sadd.s32 s2, s18  }
0x8e: {  	[smem:$0x3FC4] =	sst s2  }
0x8f: {  	_ = 	snop  }
0x90: {  	s2 =	sld [smem:$0x3FC9]  }
0x91: {  	s19 =	sld [smem:$0x3FC8]  }
0x92: {  	s4 =	sld [smem:$0x3FC7]  }
0x93: {  	s5 =	sld [smem:$0x3FC6]  }
0x94: {  	s6 =	sld [smem:$0x3FD0];
	(tm) =	ssettm $0x1  }
0x95: {  	s7 =	sld [smem:$0x3FFB];
	_ =	sdelay $0x3  }
0x96: {  	_ =	strace s7  }
0x97: {  	s7 =	sld [smem:$0x3FFC];
	_ =	sdelay $0x3  }
0x98: {  	_ =	strace s7  }
0x99: {  	s7 =	sld [smem:$0x3FFD];
	_ =	sdelay $0x3  }
0x9a: {  	_ =	strace s7  }
0x9b: {  	_ =	strace $0x8FFFFFFF  }
0x9c: {  	s20 =	sld [smem:$0x3FDB];
	_ =	sdelay $0x1  }
0x9d: {  	s8 =	simm.s32 $_scs_section_size  }
0x9e: {  	s9 =	simm.s32 $_size__tile_overlayer_lowered;
	s10 =	simm.s32 $_tile_overlayer_lowered  }
0x9f: {  	s23 =	simm.s32 $0x1BFF;
	s22 =	sshll.u32 s10, $0x1;
	s7 =	sadd.s32 s8, s20  }
0xa0: {  	s11 =	simm.s32 $0x0;
	s21 =	sshll.u32 s9, $0x1;
	s9 =	sadd.s32 s22, s7  }
0xa1: {  	[timem:s11], [sflag:s23] =	dma.local [hbm:s9], s21  }
0xa2: {  	_ =	swait.ge [sflag:s23], s21  }
0xa3: {  	s8 =	ssub.s32 $0x0, s21;
	[sflag:s23] =	ssyncset.done $0x0  }
0xa4: {  	[sflag:s23] =	ssyncadd.s32 s8;
	_ =	sdelay $0x1  }
0xa5: {  	s24 =	simm.s32 $0x1B8B  }
0xa6: {  	_ =	swait.ge [sflag:s24], $0x1  }
0xa7: {  	[sflag:s24] =	ssyncset.done $0x0  }
0xa8: {  	s25 =	simm.s32 $0x1B8E;
	[sflag:s24] =	ssyncadd.s32 $0xFFFFFFFF  }
0xa9: {  	s26 =	simm.s32 $execute0_lowered;
	[smem:$0x3FD2] =	sst s25  }
0xaa: {  	s8 =	sshll.u32 s26, $0x1;
	_ =	strace $0x80000046;
	[dreg:$0x1] =	wrdreg $0xFFFFFFFF  }
0xab: {  	s28 =	simm.s32 $_size_execute0_lowered;
	s7 =	sadd.s32 s7, s8;
	[dreg:$0x0] =	wrdreg $0x0  }
0xac: {  	s8 =	sshll.u32 s28, $0x1;
	[dreg:$0x2] =	wrdreg s7  }
0xad: {  	[dreg:$0x3] =	wrdreg s8  }
0xae: {  	[dreg:$0x4] =	wrdreg $0xC0  }
0xaf: {  	_ =	task [dreg:s11], $0x5FFFF  }
0xb0: {  	[dreg:$0x1] =	wrdreg $0xFFFFFFFF  }
0xb1: {  	[dreg:$0x0] =	wrdreg $0x60  }
0xb2: {  	[dreg:$0x2] =	wrdreg s2  }
0xb3: {  	[dreg:$0x3] =	wrdreg s19  }
0xb4: {  	[dreg:$0x4] =	wrdreg s4  }
0xb5: {  	[dreg:$0x5] =	wrdreg s5  }
0xb6: {  	[dreg:$0x6] =	wrdreg s6  }
0xb7: {  	[dreg:$0x7] =	wrdreg $0x102800  }
0xb8: {  	[dreg:$0x8] =	wrdreg $0x9  }
0xb9: {  	_ =	task.clear_ibuf [dreg:s11], $0x9FFFF;
	_ =	strace $0x90000046  }
0xba: {  	s29 =	simm.s32 $0x9;
	_ =	strace $0x80000048  }
0xbb: {  	_ =	swait.ge [sflag:s29], $0x1  }
0xbc: {  	[sflag:s29] =	ssyncadd.s32 $0xFFFFFFFF  }
0xbd: {  	_ =	strace $0x90000048  }
0xbe: {  	_ =	sfence  }
0xbf: {  	s30 =	sld [smem:$0x0];
	_ =	sdelay $0x2  }
0xc0: {  	s31 =	sshll.u32 s1, $0xD;
	s1 =	sshrl.u32 s1, $0x2  }
0xc1: {  	s3 =	sand.u32 $0x4000, s31;
	s1 =	sadd.s32 s1, s30  }
0xc2: {  	s0 =	sor.u32 s3, s0;
	s1 =	sshll.u32 s1, $0x11  }
0xc3: {  	s0 =	sor.u32 s1, s0  }
0xc4: {  	s0 =	sadd.s32 $0x8F2B, s0  }
0xc5: {  	[sflag:s0] =	ssyncadd.remote.s32 $0x1  }
0xc6: {  	_ =	sfence.sel $0xFFFF  }
0xc7: {  	[dreg:$0x0] =	wrdreg $0xFFFFFFFF;
	(pc) =	sbr.abs _section_cstart, $3  }
0xc8: {  	[dreg:$0x1] =	wrdreg $0xFFFFFFFF  }
0xc9: {  	_ =	task.clear_ibuf [dreg:s11], $0x2FFFF;
	_ =	strace $0x9FFFFFFF  }
0xca: {  	(tm) =	ssettm $0x7FFFFFFF  }
0xcb: {  	_ =	shalt  }
tec
execute0_lowered:
.L_overlay_start_1:
0x0: {  	(tag) =	ssettag $0x1  }
0x1: {  	s6 =	rddreg [dreg:$0x0]  }
0x2: {  	s1 =	rddreg [dreg:$0x1]  }
0x3: {  	s7 =	rddreg [dreg:$0x2]  }
0x4: {  	s2 =	rddreg [dreg:$0x3]  }
0x5: {  	s11 =	rddreg [dreg:$0x4]  }
0x6: {  	s9 =	rddreg [dreg:$0x5];
	s3 =	simm.s32 $0x0;
	s4 =	srdreg.scid  }
0x7: {  	s0 =	stileid.u32;
	s17 =	simm.s32 $0xF000;
	s18 =	simm.s32 $0x10180  }
0x8: {  	s20 =	simm.s32 $0xF880;
	s21 =	simm.s32 $0x10200;
	s22 =	simm.s32 $0x0  }
0x9: {  	[smem:$0x7FF] =	sst s3;
	s8 =	sand.u32 $0x1, s4;
	s13 =	sshrl.u32 s0, $0x1  }
0xa: {  	_ =	strace $0x80000047;
	s5 =	ssub.s32 $0x2, s8;
	s10 =	smul.u32 $0x28000, s8  }
0xb: {  	s14 =	smul.u32 $0x4400, s8;
	s15 =	sshll.u32 s13, $0x7;
	s16 =	sshll.u32 s8, $0x3  }
0xc: {  	s28 =	sshll.u32 s8, $0xA;
	s12 =	sshrl.u32 s5, $0x1;
	s19 =	sor.u32 s13, s16  }
0xd: {  	s30 =	sor.u32 s28, s15;
	s13 =	simm.s32 $0x80;
	s16 =	simm.s32 $0xA000  }
0xe: {  	s12 =	ssub.s32 s5, s12;
	s5 =	sand.u32 $0x1, s0;
	s10 =	sor.u32 s10, s15  }
0xf: {  	s14 =	sor.u32 s14, s15;
	s29 =	sshll.u32 s19, $0x8;
	s31 =	sshrl.u32 s30, $0x3  }
0x10: {  	s15 =	simm.s32 $0x1;
	v0 =	vmov s19;
	s19 =	simm.s32 $0x5000;
	s10 =	sshrl.u32 s10, $0x3  }
0x11: {  	s26 =	sshrl.u32 s14, $0x3;
	s8 =	sshll.u32 s5, $0xA;
	s9 =	sadd.s32 s29, s9  }
0x12: {  	p0 =	seq.s32 s5, $0x1;
	s11 =	sadd.s32 s11, s31;
	s12 =	smax.u32 s12, $0x1  }
0x13: {  	s14 =	simm.s32 $0x400;
	p1 =	sne.s32 s5, $0x0;
	p2 =	seq.s32 s5, $0x0  }
0x14: {  	v2 =	vimm.f32 $-1.000000020e+30;
	s6 =	sadd.s32 s6, s10;
	s7 =	sadd.s32 s7, s26;
	s10 =	sor.u32 $0xF000, s8;
	v1 =	vmov s8;
	vm0 =	vcmask @!p1 $0x300  }
.LBB2_1:
0x15: {  	[tilespmem:s3], [sflag:$0x1] =	stream.strided.gather [hbm4b:s6+s13], $0x5000, s14, s13, $0x38;
	[tilespmem:$0x102A0] =	vst v63  }
0x16: {  	_ =	swait.ge [sflag:s15], $0x5000  }
0x17: {  	[sflag:s15] =	ssyncset.done $0x0  }
0x18: {  	[sflag:s15] =	ssyncadd.s32 $0xFFFFB000  }
0x19: {  	[tilespmem:s16], [sflag:$0x1] =	stream.linear.gather [hbm4b:s1+s3], $0x5000, $0x38;
	[tilespmem:$0x102A0] =	vst v63  }
0x1a: {  	_ =	swait.ge [sflag:s15], $0x5000  }
0x1b: {  	[sflag:s15] =	ssyncset.done $0x0  }
0x1c: {  	[sflag:s15] =	ssyncadd.s32 $0xFFFFB000  }
0x1d: {  	[tilespmem:s17], [sflag:$0x1] =	stream.strided.gather [hbm4b:s7+s13], $0x880, s14, s13, $0x38;
	[tilespmem:$0x102A0] =	vst v63  }
0x1e: {  	_ =	swait.ge [sflag:s15], $0x880  }
0x1f: {  	[sflag:s15] =	ssyncset.done $0x0  }
0x20: {  	[sflag:s15] =	ssyncadd.s32 $0xFFFFF780  }
0x21: {  	[tilespmem:s18], [sflag:$0x1] =	stream.linear.gather [hbm4b:s2+s3], $0x80, $0x38;
	[tilespmem:$0x102A0] =	vst v63  }
0x22: {  	_ =	swait.ge [sflag:s15], $0x80  }
0x23: {  	[sflag:s15] =	ssyncset.done $0x0  }
0x24: {  	s23 =	simm.s32 $0xA020;
	[sflag:s15] =	ssyncadd.s32 $0xFFFFFF80  }
0x25: {  	v3 =	vld [tilespmem:s23+$0xFFFFFFE0]  }
0x26: {  	v4 =	vld [tilespmem:s23+$0xFFFFFFF0]  }
0x27: {  	s24 =	simm.s32 $0x20;
	v5 =	vld [tilespmem:s23+$0x0]  }
0x28: {  	v7 =	vld [tilespmem:s24+$0xFFFFFFE0]  }
0x29: {  	v6 =	vld [tilespmem:s23+$0x10]  }
0x2a: {  	v8 =	vld [tilespmem:s24+$0xFFFFFFF0]  }
0x2b: {  	s25 =	simm.s32 $0xA060;
	v10 =	vld [tilespmem:s24+$0x0]  }
0x2c: {  	v11 =	vld [tilespmem:s25+$0xFFFFFFE0]  }
0x2d: {  	v12 =	vld [tilespmem:s25+$0xFFFFFFF0]  }
0x2e: {  	v3 =	vld.idx.msk [tilespmem:v3+s3+$0x0], $0xffff  }
0x2f: {  	v14 =	vld [tilespmem:s24+$0x10]  }
0x30: {  	v4 =	vld.idx.msk [tilespmem:v4+s3+$0x0], $0xffff  }
0x31: {  	v5 =	vld.idx.msk [tilespmem:v5+s3+$0x0], $0xffff  }
0x32: {  	v13 =	vld.idx.msk [tilespmem:v6+s3+$0x0], $0xffff;
	v6 =	vimm.f32 $0.0e+00  }
0x33: {  	s23 =	simm.s32 $0x60;
	v9 =	vadd.f32 v3, v6;
	v6 =	vld [tilespmem:s25+$0x0]  }
0x34: {  	v3 =	vsub.f32 v7, v3;
	v7 =	vld [tilespmem:s23+$0xFFFFFFE0]  }
0x35: {  	s24 =	simm.s32 $0x5020;
	v15 =	vsub.f32 v8, v4;
	v4 =	vadd.f32 v4, v9;
	v9 =	vld [tilespmem:s25+$0x10]  }
0x36: {  	v10 =	vsub.f32 v10, v5;
	v8 =	vld [tilespmem:s23+$0xFFFFFFF0];
	[tilespmem:s24+$0xFFFFFFE0] =	vst v3  }
0x37: {  	[tilespmem:s24+$0xFFFFFFF0] =	vst v15;
	v3 =	vld.idx.msk [tilespmem:v11+s3+$0x0], $0xffff;
	v11 =	vsub.f32 v14, v13;
	v4 =	vadd.f32 v5, v4  }
0x38: {  	[tilespmem:s24+$0x0] =	vst v10;
	v10 =	vld [tilespmem:s23+$0x0]  }
0x39: {  	s26 =	simm.s32 $0xA0A0;
	s25 =	simm.s32 $0x40;
	[tilespmem:s24+$0x10] =	vst v11;
	v5 =	vadd.f32 v13, v4;
	v4 =	vld.idx.msk [tilespmem:v12+s3+$0x0], $0xffff  }
.LBB2_2:
0x3a: {  	v11 =	vld [tilespmem:s26+$0xFFFFFFE0]  }
0x3b: {  	s25 =	sadd.s32 $0x40, s25;
	v12 =	vld.idx.msk [tilespmem:v6+s3+$0x0], $0xffff  }
0x3c: {  	p3 =	slt.u32 s25, $0x4FC0;
	v13 =	vld [tilespmem:s26+$0xFFFFFFF0]  }
0x3d: {  	v7 =	vsub.f32 v7, v3;
	v3 =	vadd.f32 v3, v5;
	v5 =	vld.idx.msk [tilespmem:v9+s3+$0x0], $0xffff  }
0x3e: {  	s24 =	sadd.s32 $0x40, s24;
	v14 =	vld [tilespmem:s23+$0x10]  }
0x3f: {  	v8 =	vsub.f32 v8, v4;
	v3 =	vadd.f32 v4, v3;
	s23 =	sadd.s32 $0x40, s23;
	v6 =	vld [tilespmem:s26+$0x0];
	[tilespmem:s24+$0xFFFFFFE0] =	vst v7  }
0x40: {  	v7 =	vld [tilespmem:s23+$0xFFFFFFE0]  }
.Ltmp0:
0x41: {  	v4 =	vsub.f32 v10, v12;
	v10 =	vadd.f32 v12, v3;
	v9 =	vld [tilespmem:s26+$0x10];
	[tilespmem:s24+$0xFFFFFFF0] =	vst v8;
	(pc) =	sbr.rel @p3 .LBB2_2-.Ltmp0, $4  }
0x42: {  	v8 =	vld [tilespmem:s23+$0xFFFFFFF0]  }
0x43: {  	v3 =	vld.idx.msk [tilespmem:v11+s3+$0x0], $0xffff;
	[tilespmem:s24+$0x0] =	vst v4;
	v11 =	vsub.f32 v14, v5;
	v5 =	vadd.f32 v5, v10  }
0x44: {  	v10 =	vld [tilespmem:s23+$0x0]  }
0x45: {  	s26 =	sadd.s32 $0x40, s26;
	v4 =	vld.idx.msk [tilespmem:v13+s3+$0x0], $0xffff;
	[tilespmem:s24+$0x10] =	vst v11  }
0x46: {  	_ =	sdelay $0x3  }
0x47: {  	v6 =	vld.idx.msk [tilespmem:v6+s3+$0x0], $0xffff  }
0x48: {  	v9 =	vld.idx.msk [tilespmem:v9+s3+$0x0], $0xffff  }
0x49: {  	v11 =	vld [tilespmem:s23+$0x10];
	_ =	sdelay $0x1  }
0x4a: {  	v7 =	vsub.f32 v7, v3  }
0x4b: {  	s30 =	sadd.s32 $0x40, s24;
	v8 =	vsub.f32 v8, v4  }
0x4c: {  	[tilespmem:s30+$0xFFFFFFE0] =	vst v7;
	v62 =	vsub.f32 v10, v6  }
0x4d: {  	v63 =	vsub.f32 v11, v9;
	[tilespmem:s30+$0xFFFFFFF0] =	vst v8  }
0x4e: {  	[tilespmem:s30+$0x0] =	vst v62  }
0x4f: {  	[tilespmem:s30+$0x10] =	vst v63  }
0x50: {  	[tilespmem:$0xF880] =	vst v2  }
0x51: {  	[tilespmem:$0xFD00] =	vst v2  }
0x52: {  	[tilespmem:$0xF890] =	vst v2  }
0x53: {  	[tilespmem:$0xFD10] =	vst v2  }
0x54: {  	[tilespmem:$0xF8A0] =	vst v2  }
0x55: {  	[tilespmem:$0xFD20] =	vst v2  }
0x56: {  	[tilespmem:$0xF8B0] =	vst v2  }
0x57: {  	[tilespmem:$0xFD30] =	vst v2  }
0x58: {  	[tilespmem:$0xF8C0] =	vst v2  }
0x59: {  	[tilespmem:$0xFD40] =	vst v2  }
0x5a: {  	[tilespmem:$0xF8D0] =	vst v2  }
0x5b: {  	[tilespmem:$0xFD50] =	vst v2  }
0x5c: {  	[tilespmem:$0xF8E0] =	vst v2  }
0x5d: {  	[tilespmem:$0xFD60] =	vst v2  }
0x5e: {  	[tilespmem:$0xF8F0] =	vst v2  }
0x5f: {  	[tilespmem:$0xFD70] =	vst v2  }
0x60: {  	[tilespmem:$0xF900] =	vst v2  }
0x61: {  	[tilespmem:$0xFD80] =	vst v2  }
0x62: {  	[tilespmem:$0xF910] =	vst v2  }
0x63: {  	[tilespmem:$0xFD90] =	vst v2  }
0x64: {  	[tilespmem:$0xF920] =	vst v2  }
0x65: {  	[tilespmem:$0xFDA0] =	vst v2  }
0x66: {  	[tilespmem:$0xF930] =	vst v2  }
0x67: {  	[tilespmem:$0xFDB0] =	vst v2  }
0x68: {  	[tilespmem:$0xF940] =	vst v2  }
0x69: {  	[tilespmem:$0xFDC0] =	vst v2  }
0x6a: {  	[tilespmem:$0xF950] =	vst v2  }
0x6b: {  	[tilespmem:$0xFDD0] =	vst v2  }
0x6c: {  	[tilespmem:$0xF960] =	vst v2  }
0x6d: {  	[tilespmem:$0xFDE0] =	vst v2  }
0x6e: {  	[tilespmem:$0xF970] =	vst v2  }
0x6f: {  	[tilespmem:$0xFDF0] =	vst v2  }
0x70: {  	[tilespmem:$0xF980] =	vst v2  }
0x71: {  	[tilespmem:$0xFE00] =	vst v2  }
0x72: {  	[tilespmem:$0xF990] =	vst v2  }
0x73: {  	[tilespmem:$0xFE10] =	vst v2  }
0x74: {  	[tilespmem:$0xF9A0] =	vst v2  }
0x75: {  	[tilespmem:$0xFE20] =	vst v2  }
0x76: {  	[tilespmem:$0xF9B0] =	vst v2  }
0x77: {  	[tilespmem:$0xFE30] =	vst v2  }
0x78: {  	[tilespmem:$0xF9C0] =	vst v2  }
0x79: {  	[tilespmem:$0xFE40] =	vst v2  }
0x7a: {  	[tilespmem:$0xF9D0] =	vst v2  }
0x7b: {  	[tilespmem:$0xFE50] =	vst v2  }
0x7c: {  	[tilespmem:$0xF9E0] =	vst v2  }
0x7d: {  	[tilespmem:$0xFE60] =	vst v2  }
0x7e: {  	[tilespmem:$0xF9F0] =	vst v2  }
0x7f: {  	[tilespmem:$0xFE70] =	vst v2  }
0x80: {  	[tilespmem:$0xFA00] =	vst v2  }
0x81: {  	[tilespmem:$0xFE80] =	vst v2  }
0x82: {  	[tilespmem:$0xFA10] =	vst v2  }
0x83: {  	[tilespmem:$0xFE90] =	vst v2  }
0x84: {  	[tilespmem:$0xFA20] =	vst v2  }
0x85: {  	[tilespmem:$0xFEA0] =	vst v2  }
0x86: {  	[tilespmem:$0xFA30] =	vst v2  }
0x87: {  	[tilespmem:$0xFEB0] =	vst v2  }
0x88: {  	[tilespmem:$0xFA40] =	vst v2  }
0x89: {  	[tilespmem:$0xFEC0] =	vst v2  }
0x8a: {  	[tilespmem:$0xFA50] =	vst v2  }
0x8b: {  	[tilespmem:$0xFED0] =	vst v2  }
0x8c: {  	[tilespmem:$0xFA60] =	vst v2  }
0x8d: {  	[tilespmem:$0xFEE0] =	vst v2  }
0x8e: {  	[tilespmem:$0xFA70] =	vst v2  }
0x8f: {  	[tilespmem:$0xFEF0] =	vst v2  }
0x90: {  	[tilespmem:$0xFA80] =	vst v2  }
0x91: {  	[tilespmem:$0xFF00] =	vst v2  }
0x92: {  	[tilespmem:$0xFA90] =	vst v2  }
0x93: {  	[tilespmem:$0xFF10] =	vst v2  }
0x94: {  	[tilespmem:$0xFAA0] =	vst v2  }
0x95: {  	[tilespmem:$0xFF20] =	vst v2  }
0x96: {  	[tilespmem:$0xFAB0] =	vst v2  }
0x97: {  	[tilespmem:$0xFF30] =	vst v2  }
0x98: {  	[tilespmem:$0xFAC0] =	vst v2  }
0x99: {  	[tilespmem:$0xFF40] =	vst v2  }
0x9a: {  	[tilespmem:$0xFAD0] =	vst v2  }
0x9b: {  	[tilespmem:$0xFF50] =	vst v2  }
0x9c: {  	[tilespmem:$0xFAE0] =	vst v2  }
0x9d: {  	[tilespmem:$0xFF60] =	vst v2  }
0x9e: {  	[tilespmem:$0xFAF0] =	vst v2  }
0x9f: {  	[tilespmem:$0xFF70] =	vst v2  }
0xa0: {  	[tilespmem:$0xFB00] =	vst v2  }
0xa1: {  	[tilespmem:$0xFF80] =	vst v2  }
0xa2: {  	[tilespmem:$0xFB10] =	vst v2  }
0xa3: {  	[tilespmem:$0xFF90] =	vst v2  }
0xa4: {  	[tilespmem:$0xFB20] =	vst v2  }
0xa5: {  	[tilespmem:$0xFFA0] =	vst v2  }
0xa6: {  	[tilespmem:$0xFB30] =	vst v2  }
0xa7: {  	[tilespmem:$0xFFB0] =	vst v2  }
0xa8: {  	[tilespmem:$0xFB40] =	vst v2  }
0xa9: {  	[tilespmem:$0xFFC0] =	vst v2  }
0xaa: {  	[tilespmem:$0xFB50] =	vst v2  }
0xab: {  	[tilespmem:$0xFFD0] =	vst v2  }
0xac: {  	[tilespmem:$0xFB60] =	vst v2  }
0xad: {  	[tilespmem:$0xFFE0] =	vst v2  }
0xae: {  	[tilespmem:$0xFB70] =	vst v2  }
0xaf: {  	[tilespmem:$0xFFF0] =	vst v2  }
0xb0: {  	[tilespmem:$0xFB80] =	vst v2  }
0xb1: {  	v3 =	vadd.f32 v3, v5;
	[tilespmem:$0x10000] =	vst v2  }
0xb2: {  	[tilespmem:$0xFB90] =	vst v2  }
0xb3: {  	v3 =	vadd.f32 v4, v3;
	[tilespmem:$0x10010] =	vst v2  }
0xb4: {  	[tilespmem:$0xFBA0] =	vst v2  }
0xb5: {  	v3 =	vadd.f32 v6, v3;
	[tilespmem:$0x10020] =	vst v2  }
0xb6: {  	[tilespmem:$0xFBB0] =	vst v2  }
0xb7: {  	v3 =	vadd.f32 v9, v3;
	[tilespmem:$0x10030] =	vst v2  }
0xb8: {  	[tilespmem:$0xFBC0] =	vst v2  }
0xb9: {  	[tilespmem:$0x10040] =	vst v2;
	(xrf2) =	vadd.scan.msk.f32 $0xffff, v3  }
0xba: {  	[tilespmem:$0xFBD0] =	vst v2  }
0xbb: {  	[tilespmem:$0x10050] =	vst v2  }
0xbc: {  	[tilespmem:$0xFBE0] =	vst v2  }
0xbd: {  	[tilespmem:$0x10060] =	vst v2  }
0xbe: {  	[tilespmem:$0xFBF0] =	vst v2  }
0xbf: {  	[tilespmem:$0x10070] =	vst v2  }
0xc0: {  	[tilespmem:$0xFC00] =	vst v2  }
0xc1: {  	[tilespmem:$0x10080] =	vst v2  }
0xc2: {  	[tilespmem:$0xFC10] =	vst v2  }
0xc3: {  	[tilespmem:$0x10090] =	vst v2;
	v3, _, _ =	vpop (xrf2)  }
0xc4: {  	[tilespmem:$0xFC20] =	vst v2;
	(v2sf) =	vpush v3, $0xF  }
0xc5: {  	[tilespmem:$0x100A0] =	vst v2  }
0xc6: {  	[tilespmem:$0xFC30] =	vst v2  }
0xc7: {  	[tilespmem:$0x100B0] =	vst v2  }
0xc8: {  	[tilespmem:$0xFC40] =	vst v2  }
0xc9: {  	[tilespmem:$0x100C0] =	vst v2  }
0xca: {  	[tilespmem:$0xFC50] =	vst v2  }
0xcb: {  	[tilespmem:$0x100D0] =	vst v2  }
0xcc: {  	[tilespmem:$0xFC60] =	vst v2  }
0xcd: {  	[tilespmem:$0x100E0] =	vst v2  }
0xce: {  	[tilespmem:$0xFC70] =	vst v2  }
0xcf: {  	[tilespmem:$0x100F0] =	vst v2  }
0xd0: {  	[tilespmem:$0xFC80] =	vst v2  }
0xd1: {  	[tilespmem:$0x10100] =	vst v2  }
0xd2: {  	[tilespmem:$0xFC90] =	vst v2;
	v3 =	vimm.f32 @!p1 $-1.000000020e+30  }
0xd3: {  	[tilespmem:$0x10110] =	vst v2;
	v3 =	vsel @!p1 vm0, $0x0, v3;
	s31 =	spop (v2sf)  }
0xd4: {  	s24 =	simm.s32 $0x0;
	[tilespmem:$0xF890] =	vst @!p1 v3;
	s23 =	smul.f32 $2.000000030e-01, s31  }
.LBB2_4:
0xd5: {  	s25 =	sand.u32 $0x7, s24  }
0xd6: {  	p3 =	sne.s32 s25, $0x0  }
0xd7: {  	p4 =	sne.s32 @!p3 s5, $0x0;
	s25 =	sshrl.u32 @!p3 s24, $0x3  }
0xd8: {  	s25 =	sand.u32 @!p3 $0x1, s25;
	p5 =	por !p4, p3  }
0xd9: {  	s26 =	sshll.u32 @!p5 s25, $0x7  }
0xda: {  	[bflag:$0x0] =	sbarrier.arrive @!p5 $0xFFFF;
	s28 =	simm.s32 @!p5 $0xF890;
	s26 =	sadd.s32 @!p5 s26, s9  }
0xdb: {  	[tilespmem:s28], [sflag:$0x1] =	stream.linear.gather @!p5 [spmem:s26], $0x10, $0x38;
	[tilespmem:$0x102A0] =	vst v63  }
0xdc: {  	s26 =	simm.s32 @!p5 $0x1  }
0xdd: {  	p3 =	por p4, p3;
	_ =	swait.ge @!p5 [sflag:s26], $0x10  }
0xde: {  	s25 =	sshll.u32 @!p3 s25, $0x7;
	[sflag:s26] =	ssyncset.done @!p5 $0x0  }
0xdf: {  	s25 =	sadd.s32 @!p3 s25, s9;
	[sflag:s26] =	ssyncadd.s32 @!p5 $0xFFFFFFF0;
	s26 =	simm.s32 @!p3 $0xFC90  }
0xe0: {  	[spmem:s25] =	stream.linear.scatter @!p3 [tilespmem:s26], [sflag:$0x1], $0x10, $0x38;
	[tilespmem:$0x102A0] =	vst v63  }
0xe1: {  	s25 =	simm.s32 @!p3 $0x1  }
0xe2: {  	s31 =	simm.s32 $0x0;
	_ =	swait.ge @!p3 [sflag:s25], $0x10  }
0xe3: {  	s28 =	sand.u32 $0x380, s31;
	[sflag:s25] =	ssyncset.done @!p3 $0x0  }
0xe4: {  	s0 =	sand.u32 $0x40, s31;
	s4 =	sadd.s32 s28, s10;
	[sflag:s25] =	ssyncadd.s32 @!p3 $0xFFFFFFF0  }
0xe5: {  	s28 =	sadd.s32 s0, s4;
	[bflag:$0x0] =	sbarrier.arrive @!p3 $0xFFFF  }
0xe6: {  	s31 =	simm.s32 $0x10;
	v4 =	vld [tilespmem:s28+$0x30]  }
0xe7: {  	s29 =	sand.u32 $0x50, s31;
	v5 =	vld [tilespmem:s28+$0x20]  }
0xe8: {  	s26 =	sadd.s32 s29, s4;
	s25 =	smul.u32 $0xA, s24  }
0xe9: {  	v6 =	vld [tilespmem:s26+$0x0]  }
0xea: {  	v3 =	vmov s25  }
0xeb: {  	v4 =	vadd.s32 v3, v4  }
0xec: {  	v5 =	vadd.s32 v3, v5;
	_ =	sdelay $0x1  }
0xed: {  	s0 =	simm.s32 $0xF8A0;
	v7 =	vld [tilespmem:s28+$0x0];
	v6 =	vadd.s32 v3, v6  }
0xee: {  	v11 =	vld [tilespmem:s0+$0xFFFFFFFF]  }
0xef: {  	v9 =	vld.idx.msk [tilespmem:v4+s19+$0x0], $0xffff  }
0xf0: {  	v4 =	vld.idx.msk [tilespmem:v5+s19+$0x0], $0xffff  }
0xf1: {  	v5 =	vld [tilespmem:s0+$0xF]  }
0xf2: {  	v7 =	vadd.s32 v3, v7;
	v6 =	vld.idx.msk [tilespmem:v6+s19+$0x0], $0xffff  }
0xf3: {  	v10 =	vld [tilespmem:s0+$0x10]  }
0xf4: {  	s28 =	simm.s32 $0x40;
	v12 =	vld [tilespmem:s0+$0x0]  }
0xf5: {  	v8 =	vld [tilespmem:s0+$0x1F];
	s29 =	sand.u32 $0x380, s28  }
0xf6: {  	v13 =	vld [tilespmem:s0+$0xFFFFFFEF];
	s28 =	sand.u32 $0x40, s28;
	s29 =	sadd.s32 s29, s10;
	v5 =	vadd.f32 v5, v4  }
0xf7: {  	s28 =	sadd.s32 s28, s29;
	v7 =	vld.idx.msk [tilespmem:v7+s19+$0x0], $0xffff;
	v6 =	vadd.f32 v11, v6  }
0xf8: {  	v4 =	vmax.f32 v5, v10;
	v5 =	vmin.f32 v5, v10;
	v10 =	vld [tilespmem:s28+$0x20]  }
0xf9: {  	s30 =	simm.s32 $0x50;
	v18 =	vmax.f32 v6, v12;
	v6 =	vmin.f32 v6, v12;
	v12 =	vld [tilespmem:s28+$0x30];
	v5 =	vsub.f32 v5, v4  }
0xfa: {  	s30 =	sand.u32 $0x50, s30;
	v14 =	vld [tilespmem:s0+$0xFFFFFFF0];
	v6 =	vsub.f32 v6, v18  }
0xfb: {  	v15 =	vld [tilespmem:s0+$0x20];
	s29 =	sadd.s32 s30, s29;
	v5 =	vmul.f32 $1.442695020e+00, v5  }
0xfc: {  	v11 =	vld [tilespmem:s29+$0x0];
	v8 =	vadd.f32 v8, v9;
	v9 =	vmul.f32 $1.442695020e+00, v6  }
0xfd: {  	(erf) = vpow2.f32 v5;
	v5 =	vadd.f32 v13, v7;
	v10 =	vadd.s32 v3, v10  }
0xfe: {  	v12 =	vadd.s32 v3, v12  }
0xff: {  	s4 =	simm.s32 $0xF8E0;
	v13 =	vld [tilespmem:s28+$0x0];
	(erf) = vpow2.f32 v9;
	v6 =	vmax.f32 v5, v14;
	v5 =	vmin.f32 v5, v14  }
0x100: {  	v7 =	vmax.f32 v8, v15;
	v8 =	vmin.f32 v8, v15;
	v15 =	vld [tilespmem:s4+$0xFFFFFFFF];
	v5 =	vsub.f32 v5, v6  }
0x101: {  	v11 =	vadd.s32 v3, v11;
	v8 =	vsub.f32 v8, v7;
	v14 =	vld [tilespmem:s4+$0x1F]  }
0x102: {  	v9 =	vld.idx.msk [tilespmem:v10+s19+$0x0], $0xffff;
	v5 =	vmul.f32 $1.442695020e+00, v5  }
0x103: {  	v8 =	vmul.f32 $1.442695020e+00, v8;
	v10 =	vld [tilespmem:s4+$0xF]  }
0x104: {  	v13 =	vadd.s32 v3, v13;
	v12 =	vld.idx.msk [tilespmem:v12+s19+$0x0], $0xffff;
	(erf) = vpow2.f32 v5  }
0x105: {  	(erf) = vpow2.f32 v8;
	v8 =	vld [tilespmem:s4+$0x10]  }
0x106: {  	v11 =	vld.idx.msk [tilespmem:v11+s19+$0x0], $0xffff  }
0x107: {  	v16 =	vld [tilespmem:s4+$0x0];
	s29 =	simm.s32 $0x80;
	v24 =	vpop (erf)  }
0x108: {  	v19 =	vld [tilespmem:s4+$0xFFFFFFEF];
	s28 =	sand.u32 $0x380, s29;
	v5 =	vmul.f32 $4.154804720e-02, v24;
	v9 =	vadd.f32 v10, v9;
	v21 =	vpop (erf)  }
0x109: {  	s30 =	sand.u32 $0x40, s29;
	s28 =	sadd.s32 s28, s10;
	v20 =	vld.idx.msk [tilespmem:v13+s19+$0x0], $0xffff;
	v12 =	vadd.f32 v14, v12;
	v14 =	vmul.f32 $4.154804720e-02, v21  }
0x10a: {  	v17 =	vld [tilespmem:s4+$0x20];
	s30 =	sadd.s32 s30, s28;
	v10 =	vadd.f32 $-1.578321310e-01, v5;
	v5 =	vmax.f32 v9, v8;
	v8 =	vmin.f32 v9, v8  }
0x10b: {  	s31 =	simm.s32 $0x90;
	v22 =	vld [tilespmem:s30+$0x20];
	v15 =	vadd.f32 v15, v11;
	v8 =	vsub.f32 v8, v5  }
0x10c: {  	s31 =	sand.u32 $0x50, s31;
	v23 =	vld [tilespmem:s30+$0x30];
	v14 =	vadd.f32 $-1.578321310e-01, v14;
	v9 =	vmul.f32 v10, v24  }
0x10d: {  	s28 =	sadd.s32 s31, s28;
	v10 =	vmax.f32 v15, v16;
	v15 =	vmin.f32 v15, v16;
	v16 =	vld [tilespmem:s30+$0x0];
	v8 =	vmul.f32 $1.442695020e+00, v8  }
0x10e: {  	v27 =	vld [tilespmem:s28+$0x0];
	v15 =	vsub.f32 v15, v10;
	v19 =	vadd.f32 v19, v20;
	v11 =	vpop (erf)  }
0x10f: {  	v9 =	vadd.f32 $3.065569100e-01, v9;
	v25 =	vmul.f32 $4.154804720e-02, v11;
	(erf) = vpow2.f32 v8  }
0x110: {  	v29 =	vld [tilespmem:s4+$0xFFFFFFF0];
	v20 =	vadd.s32 v3, v22;
	v13 =	vpop (erf);
	v15 =	vmul.f32 $1.442695020e+00, v15;
	v8 =	vmul.f32 v14, v21  }
0x111: {  	v22 =	vadd.s32 v3, v23;
	v26 =	vmul.f32 $4.154804720e-02, v13;
	v28 =	vmul.f32 v9, v24  }
0x112: {  	v9 =	vadd.f32 $-1.578321310e-01, v25;
	v14 =	vadd.s32 v3, v16;
	v23 =	vadd.f32 $3.065569100e-01, v8  }
0x113: {  	v16 =	vadd.s32 v3, v27;
	v8 =	vmax.f32 v12, v17;
	v12 =	vmin.f32 v12, v17  }
0x114: {  	v25 =	vadd.f32 $-1.578321310e-01, v26;
	v12 =	vsub.f32 v12, v8;
	v23 =	vmul.f32 v23, v21  }
0x115: {  	v17 =	vmul.f32 v9, v11;
	v9 =	vmax.f32 v19, v29;
	v19 =	vmin.f32 v19, v29  }
0x116: {  	(erf) = vpow2.f32 v15;
	v62 =	vld.idx.msk [tilespmem:v22+s19+$0x0], $0xffff;
	v19 =	vsub.f32 v19, v9;
	v15 =	vadd.f32 $-4.970298110e-01, v23  }
0x117: {  	s30 =	simm.s32 $0xF920;
	v20 =	vld.idx.msk [tilespmem:v20+s19+$0x0], $0xffff;
	v25 =	vmul.f32 v25, v13;
	v27 =	vmul.f32 $1.442695020e+00, v12;
	v17 =	vadd.f32 $3.065569100e-01, v17  }
0x118: {  	v26 =	vadd.f32 $-4.970298110e-01, v28;
	v23 =	vld [tilespmem:s30+$0x1F];
	v22 =	vmul.f32 $1.442695020e+00, v19;
	v15 =	vmul.f32 v15, v21;
	v12 =	vpop (erf)  }
0x119: {  	v30 =	vadd.f32 $3.065569100e-01, v25;
	v19 =	vld.idx.msk [tilespmem:v16+s19+$0x0], $0xffff;
	v17 =	vmul.f32 v17, v11;
	v63 =	vmul.f32 $4.154804720e-02, v12  }
0x11a: {  	v16 =	vmul.f32 v26, v24;
	v26 =	vld [tilespmem:s30+$0xF];
	(erf) = vpow2.f32 v22;
	v15 =	vadd.f32 $9.999449250e-01, v15  }
0x11b: {  	v25 =	vld [tilespmem:s30+$0xFFFFFFFF];
	v17 =	vadd.f32 $-4.970298110e-01, v17;
	(erf) = vpow2.f32 v27;
	v28 =	vadd.f32 $-1.578321310e-01, v63  }
0x11c: {  	v30 =	vmul.f32 v30, v13;
	v22 =	vld [tilespmem:s30+$0x10];
	v27 =	vadd.f32 $9.999449250e-01, v16;
	v15 =	vmul.f32 v15, v21  }
0x11d: {  	v16 =	vadd.f32 v23, v62;
	v17 =	vmul.f32 v17, v11;
	v23 =	vmul.f32 v28, v12  }
0x11e: {  	s26 =	simm.s32 $0xFD20;
	s28 =	simm.s32 $0xFD20;
	v21 =	vld [tilespmem:s30+$0x0];
	v15 =	vadd.f32 v15, v18;
	v18 =	vmul.f32 v27, v24;
	v24 =	vadd.f32 $-4.970298110e-01, v30  }
.LBB2_5:
0x11f: {  	v20 =	vadd.f32 v26, v20;
	v23 =	vadd.f32 $3.065569100e-01, v23;
	v27 =	vpop (erf);
	s26 =	sadd.s32 $0x40, s26;
	s31 =	smov.u32 s29;
	s29 =	sadd.s32 $0x40, s29  }
0x120: {  	s0 =	sand.u32 $0x380, s29;
	s31 =	sadd.s32 $0x50, s31;
	p3 =	slt.u32 s29, $0x3C0;
	v19 =	vadd.f32 v25, v19;
	v25 =	vld [tilespmem:s30+$0x20];
	v26 =	vmul.f32 $4.154804720e-02, v27;
	[tilespmem:s28+$0x0] =	vst v15;
	v15 =	vmul.f32 v24, v13  }
0x121: {  	s4 =	sand.u32 $0x40, s29;
	v18 =	vadd.f32 v18, v4;
	v4 =	vmovc v5;
	s0 =	sadd.s32 s0, s10;
	s31 =	sand.u32 $0x50, s31;
	v24 =	vld [tilespmem:s30+$0xFFFFFFEF];
	v28 =	vmin.f32 v20, v22;
	v5 =	vmax.f32 v20, v22  }
0x122: {  	v22 =	vmul.f32 v23, v12;
	s4 =	sadd.s32 s4, s0;
	s0 =	sadd.s32 s31, s0;
	v14 =	vld.idx.msk [tilespmem:v14+s19+$0x0], $0xffff;
	v20 =	vsub.f32 v28, v5;
	v15 =	vadd.f32 $9.999449250e-01, v15  }
0x123: {  	v17 =	vadd.f32 $9.999449250e-01, v17;
	v23 =	vld [tilespmem:s4+$0x20];
	v28 =	vmax.f32 v19, v21;
	v19 =	vmin.f32 v19, v21;
	v21 =	vpop (erf);
	[tilespmem:s28+$0x10] =	vst v18  }
0x124: {  	v18 =	vld [tilespmem:s4+$0x30];
	v19 =	vsub.f32 v19, v28;
	v20 =	vmul.f32 $1.442695020e+00, v20;
	v15 =	vmul.f32 v15, v13;
	v13 =	vpop (erf)  }
0x125: {  	v26 =	vadd.f32 $-1.578321310e-01, v26;
	v30 =	vmul.f32 $4.154804720e-02, v21;
	v29 =	vld [tilespmem:s4+$0x0];
	v31 =	vmul.f32 $4.154804720e-02, v13  }
0x126: {  	v17 =	vmul.f32 v17, v11;
	v11 =	vmovc v21;
	v32 =	vld [tilespmem:s0+$0x0];
	(erf) = vpow2.f32 v20;
	v15 =	vadd.f32 v15, v7;
	v7 =	vmovc v8  }
0x127: {  	v21 =	vadd.f32 $-1.578321310e-01, v30;
	v8 =	vmul.f32 v26, v27;
	v20 =	vld [tilespmem:s30+$0xFFFFFFF0];
	v26 =	vadd.f32 $-1.578321310e-01, v31  }
0x128: {  	v19 =	vmul.f32 $1.442695020e+00, v19;
	v24 =	vadd.f32 v24, v14;
	v14 =	vadd.f32 v17, v6;
	v6 =	vmovc v9  }
0x129: {  	v17 =	vadd.s32 v3, v23;
	v9 =	vadd.f32 $3.065569100e-01, v8;
	v18 =	vadd.s32 v3, v18;
	[tilespmem:s28+$0x20] =	vst v15  }
0x12a: {  	v8 =	vmax.f32 v16, v25;
	v15 =	vmin.f32 v16, v25;
	v16 =	vmul.f32 v21, v11;
	[tilespmem:s28+$0xFFFFFFF0] =	vst v14;
	s28 =	smov.u32 s26  }
0x12b: {  	v14 =	vadd.s32 v3, v29;
	v23 =	vmul.f32 v9, v27;
	v21 =	vadd.s32 v3, v32  }
0x12c: {  	s30 =	sadd.s32 $0x40, s30;
	v15 =	vsub.f32 v15, v8;
	v9 =	vmax.f32 v24, v20;
	v20 =	vmin.f32 v24, v20  }
0x12d: {  	v24 =	vld [tilespmem:s30+$0x1F];
	v25 =	vsub.f32 v20, v9;
	(erf) = vpow2.f32 v19;
	v19 =	vadd.f32 $-4.970298110e-01, v23  }
0x12e: {  	v16 =	vadd.f32 $3.065569100e-01, v16;
	v15 =	vmul.f32 $1.442695020e+00, v15;
	v23 =	vmul.f32 v26, v13;
	v18 =	vld.idx.msk [tilespmem:v18+s19+$0x0], $0xffff  }
0x12f: {  	v22 =	vadd.f32 $-4.970298110e-01, v22;
	v20 =	vld.idx.msk [tilespmem:v17+s19+$0x0], $0xffff;
	v17 =	vmul.f32 $1.442695020e+00, v25;
	v29 =	vpop (erf);
	v25 =	vmul.f32 v19, v27  }
0x130: {  	v16 =	vmul.f32 v16, v11;
	v23 =	vadd.f32 $3.065569100e-01, v23;
	v19 =	vld.idx.msk [tilespmem:v21+s19+$0x0], $0xffff;
	v21 =	vmul.f32 $4.154804720e-02, v29  }
.Ltmp1:
0x131: {  	v30 =	vmul.f32 v22, v12;
	v26 =	vld [tilespmem:s30+$0xF];
	(erf) = vpow2.f32 v17;
	v17 =	vadd.f32 $9.999449250e-01, v25;
	(pc) =	sbr.rel @p3 .LBB2_5-.Ltmp1, $4  }
0x132: {  	v25 =	vld [tilespmem:s30+$0xFFFFFFFF];
	v21 =	vadd.f32 $-1.578321310e-01, v21;
	(erf) = vpow2.f32 v15;
	v15 =	vadd.f32 $-4.970298110e-01, v16  }
0x133: {  	v30 =	vadd.f32 $9.999449250e-01, v30;
	v31 =	vmul.f32 v23, v13;
	v22 =	vld [tilespmem:s30+$0x10];
	v27 =	vmul.f32 v17, v27  }
0x134: {  	v16 =	vadd.f32 v24, v18;
	v23 =	vmul.f32 v21, v29;
	v17 =	vmul.f32 v15, v11  }
0x135: {  	v18 =	vmul.f32 v30, v12;
	v24 =	vadd.f32 $-4.970298110e-01, v31;
	v12 =	vmovc v29;
	v21 =	vld [tilespmem:s30+$0x0];
	v15 =	vadd.f32 v27, v10;
	v10 =	vmovc v28  }
0x136: {  	_ =	sdelay $0x2  }
0x137: {  	v27 =	vld [tilespmem:s30+$0xFFFFFFEF]  }
0x138: {  	v14 =	vld.idx.msk [tilespmem:v14+s19+$0x0], $0xffff  }
0x139: {  	v20 =	vadd.f32 v26, v20  }
0x13a: {  	v19 =	vadd.f32 v25, v19;
	v25 =	vld [tilespmem:s30+$0xFFFFFFF0]  }
0x13b: {  	v26 =	vld [tilespmem:s30+$0x20];
	v28 =	vmax.f32 v20, v22;
	v20 =	vmin.f32 v20, v22  }
0x13c: {  	v22 =	vpop (erf);
	v20 =	vsub.f32 v20, v28;
	v29 =	vmax.f32 v19, v21  }
0x13d: {  	v19 =	vmin.f32 v19, v21;
	v21 =	vmul.f32 $4.154804720e-02, v22;
	v14 =	vadd.f32 v27, v14  }
0x13e: {  	v19 =	vsub.f32 v19, v29;
	v20 =	vmul.f32 $1.442695020e+00, v20  }
0x13f: {  	v21 =	vadd.f32 $-1.578321310e-01, v21;
	v27 =	vmax.f32 v14, v25;
	v14 =	vmin.f32 v14, v25  }
0x140: {  	v25 =	vmax.f32 v16, v26;
	v16 =	vmin.f32 v16, v26;
	(erf) = vpow2.f32 v20  }
0x141: {  	v19 =	vmul.f32 $1.442695020e+00, v19;
	v14 =	vsub.f32 v14, v27;
	v20 =	vmul.f32 v21, v22  }
0x142: {  	v16 =	vsub.f32 v16, v25  }
0x143: {  	(erf) = vpow2.f32 v19;
	v14 =	vmul.f32 $1.442695020e+00, v14;
	v19 =	vadd.f32 $3.065569100e-01, v20  }
0x144: {  	v16 =	vmul.f32 $1.442695020e+00, v16  }
0x145: {  	v17 =	vadd.f32 $9.999449250e-01, v17;
	(erf) = vpow2.f32 v14;
	v19 =	vmul.f32 v19, v22  }
0x146: {  	v4 =	vadd.f32 v18, v4;
	v14 =	vmul.f32 v24, v13;
	v20 =	vpop (erf);
	(erf) = vpow2.f32 v16  }
0x147: {  	v11 =	vmul.f32 v17, v11;
	v21 =	vmul.f32 $4.154804720e-02, v20;
	v19 =	vadd.f32 $-4.970298110e-01, v19  }
0x148: {  	v16 =	vadd.f32 $3.065569100e-01, v23;
	v23 =	vpop (erf);
	v14 =	vadd.f32 $9.999449250e-01, v14  }
0x149: {  	v24 =	vmul.f32 $4.154804720e-02, v23;
	v21 =	vadd.f32 $-1.578321310e-01, v21;
	v18 =	vmul.f32 v19, v22  }
0x14a: {  	v16 =	vmul.f32 v16, v12;
	v13 =	vmul.f32 v14, v13  }
0x14b: {  	v6 =	vadd.f32 v11, v6;
	v14 =	vadd.f32 $-1.578321310e-01, v24;
	v11 =	vpop (erf);
	v17 =	vmul.f32 v21, v20  }
0x14c: {  	v16 =	vadd.f32 $-4.970298110e-01, v16;
	v19 =	vmul.f32 $4.154804720e-02, v11;
	v7 =	vadd.f32 v13, v7  }
0x14d: {  	v14 =	vmul.f32 v14, v23;
	v13 =	vadd.f32 $3.065569100e-01, v17;
	v17 =	vadd.f32 $9.999449250e-01, v18;
	v18 =	vpop (erf)  }
0x14e: {  	v16 =	vmul.f32 v16, v12;
	v19 =	vadd.f32 $-1.578321310e-01, v19;
	v21 =	vmul.f32 $4.154804720e-02, v18;
	v24 =	vpop (erf)  }
0x14f: {  	v14 =	vadd.f32 $3.065569100e-01, v14;
	v13 =	vmul.f32 v13, v20;
	v17 =	vmul.f32 v17, v22;
	v22 =	vpop (erf)  }
0x150: {  	v16 =	vadd.f32 $9.999449250e-01, v16;
	v21 =	vadd.f32 $-1.578321310e-01, v21;
	v26 =	vmul.f32 $4.154804720e-02, v22  }
0x151: {  	v19 =	vmul.f32 v19, v11;
	v10 =	vadd.f32 v17, v10;
	v17 =	vmul.f32 $4.154804720e-02, v24  }
0x152: {  	v13 =	vadd.f32 $-4.970298110e-01, v13;
	v21 =	vmul.f32 v21, v18;
	v26 =	vadd.f32 $-1.578321310e-01, v26  }
0x153: {  	v14 =	vmul.f32 v14, v23;
	v19 =	vadd.f32 $3.065569100e-01, v19;
	v17 =	vadd.f32 $-1.578321310e-01, v17  }
0x154: {  	v12 =	vmul.f32 v16, v12;
	v21 =	vadd.f32 $3.065569100e-01, v21;
	v26 =	vmul.f32 v26, v22  }
0x155: {  	v14 =	vadd.f32 $-4.970298110e-01, v14;
	v13 =	vmul.f32 v13, v20;
	v17 =	vmul.f32 v17, v24  }
0x156: {  	v16 =	vmul.f32 v19, v11;
	v21 =	vmul.f32 v21, v18;
	v26 =	vadd.f32 $3.065569100e-01, v26  }
0x157: {  	v5 =	vadd.f32 v12, v5;
	v14 =	vmul.f32 v14, v23;
	v17 =	vadd.f32 $3.065569100e-01, v17  }
0x158: {  	v12 =	vadd.f32 $-4.970298110e-01, v16;
	v19 =	vadd.f32 $-4.970298110e-01, v21;
	v21 =	vmul.f32 v26, v22  }
0x159: {  	[tilespmem:s28+$0x10] =	vst v4;
	v4 =	vadd.f32 $9.999449250e-01, v13;
	v14 =	vadd.f32 $9.999449250e-01, v14;
	v16 =	vmul.f32 v17, v24  }
0x15a: {  	[tilespmem:s28+$0x0] =	vst v15;
	v12 =	vmul.f32 v12, v11;
	v15 =	vmul.f32 v19, v18;
	v17 =	vadd.f32 $-4.970298110e-01, v21  }
0x15b: {  	[tilespmem:s28+$0x20] =	vst v7;
	v4 =	vmul.f32 v4, v20;
	v7 =	vmul.f32 v14, v23;
	v13 =	vadd.f32 $-4.970298110e-01, v16  }
0x15c: {  	s0 =	sadd.s32 $0x40, s26;
	[tilespmem:s28+$0xFFFFFFF0] =	vst v6;
	v6 =	vadd.f32 $9.999449250e-01, v12;
	v14 =	vadd.f32 $9.999449250e-01, v15;
	v15 =	vmul.f32 v17, v22  }
0x15d: {  	[tilespmem:s0+$0x0] =	vst v10;
	v4 =	vadd.f32 v4, v9;
	v7 =	vadd.f32 v7, v8;
	v12 =	vmul.f32 v13, v24  }
0x15e: {  	[tilespmem:s0+$0x10] =	vst v5;
	v5 =	vmul.f32 v6, v11;
	v8 =	vmul.f32 v14, v18;
	v10 =	vadd.f32 $9.999449250e-01, v15  }
0x15f: {  	[tilespmem:s0+$0xFFFFFFF0] =	vst v4;
	v6 =	vadd.f32 $9.999449250e-01, v12  }
0x160: {  	[tilespmem:s0+$0x20] =	vst v7;
	v4 =	vadd.f32 v5, v28;
	v7 =	vadd.f32 v8, v29;
	v8 =	vmul.f32 v10, v22  }
0x161: {  	s4 =	sadd.s32 $0x40, s0;
	v5 =	vmul.f32 v6, v24  }
0x162: {  	[tilespmem:s4+$0x10] =	vst v4;
	v6 =	vadd.f32 v8, v25  }
0x163: {  	[tilespmem:s4+$0x0] =	vst v7;
	v4 =	vadd.f32 v5, v27  }
0x164: {  	[tilespmem:s4+$0x20] =	vst v6  }
0x165: {  	[tilespmem:s4+$0xFFFFFFF0] =	vst v4  }
0x166: {  	v4 =	vld [tilespmem:s8+$0xF400];
	_ =	sdelay $0x4  }
0x167: {  	v3 =	vadd.s32 v3, v4;
	_ =	sdelay $0x3  }
0x168: {  	v4 =	vld [tilespmem:$0xFC8F]  }
0x169: {  	v3 =	vld.idx.msk [tilespmem:v3+s19+$0x0], $0xffff;
	_ =	sdelay $0x1  }
0x16a: {  	v5 =	vld [tilespmem:$0xFC90];
	_ =	sdelay $0x2  }
0x16b: {  	v3 =	vadd.f32 v4, v3;
	_ =	sdelay $0x1  }
0x16c: {  	v4 =	vmax.f32 v3, v5;
	v3 =	vmin.f32 v3, v5  }
0x16d: {  	v3 =	vsub.f32 v3, v4;
	_ =	sdelay $0x1  }
0x16e: {  	v3 =	vmul.f32 $1.442695020e+00, v3;
	_ =	sdelay $0x1  }
0x16f: {  	(erf) = vpow2.f32 v3;
	_ =	sdelay $0x8  }
0x170: {  	v3 =	vpop (erf)  }
0x171: {  	v5 =	vmul.f32 $4.154804720e-02, v3;
	_ =	sdelay $0x1  }
0x172: {  	v5 =	vadd.f32 $-1.578321310e-01, v5;
	_ =	sdelay $0x1  }
0x173: {  	v5 =	vmul.f32 v5, v3;
	_ =	sdelay $0x1  }
0x174: {  	v5 =	vadd.f32 $3.065569100e-01, v5;
	_ =	sdelay $0x1  }
0x175: {  	v5 =	vmul.f32 v5, v3;
	_ =	sdelay $0x1  }
0x176: {  	v5 =	vadd.f32 $-4.970298110e-01, v5;
	_ =	sdelay $0x1  }
0x177: {  	v5 =	vmul.f32 v5, v3;
	_ =	sdelay $0x1  }
0x178: {  	v5 =	vadd.f32 $9.999449250e-01, v5;
	_ =	sdelay $0x1  }
0x179: {  	v3 =	vmul.f32 v5, v3  }
0x17a: {  	s26 =	simm.s32 $0x0  }
0x17b: {  	s30 =	sand.u32 $0x380, s26;
	v3 =	vadd.f32 v3, v4  }
0x17c: {  	s0 =	sand.u32 $0x40, s26;
	s4 =	sadd.s32 s30, s10  }
0x17d: {  	s0 =	sadd.s32 s0, s4;
	[tilespmem:$0x10110] =	vst v3  }
0x17e: {  	s31 =	simm.s32 $0x10;
	v4 =	vld [tilespmem:s0+$0x30]  }
0x17f: {  	s26 =	sand.u32 $0x50, s31;
	v5 =	vld [tilespmem:s0+$0x20]  }
0x180: {  	s4 =	sadd.s32 s26, s4  }
0x181: {  	s25 =	sadd.s32 $0x5, s25;
	v6 =	vld [tilespmem:s4+$0x0]  }
0x182: {  	v3 =	vmov s25  }
0x183: {  	v4 =	vadd.s32 v3, v4  }
0x184: {  	v5 =	vadd.s32 v3, v5;
	_ =	sdelay $0x1  }
0x185: {  	s4 =	simm.s32 $0xFD20;
	v7 =	vld [tilespmem:s0+$0x0];
	v6 =	vadd.s32 v3, v6  }
0x186: {  	v11 =	vld [tilespmem:s4+$0xFFFFFFFF]  }
0x187: {  	v9 =	vld.idx.msk [tilespmem:v4+s19+$0x0], $0xffff  }
0x188: {  	v4 =	vld.idx.msk [tilespmem:v5+s19+$0x0], $0xffff  }
0x189: {  	v5 =	vld [tilespmem:s4+$0xF]  }
0x18a: {  	v7 =	vadd.s32 v3, v7;
	v6 =	vld.idx.msk [tilespmem:v6+s19+$0x0], $0xffff  }
0x18b: {  	v10 =	vld [tilespmem:s4+$0x10]  }
0x18c: {  	s26 =	simm.s32 $0x40;
	v12 =	vld [tilespmem:s4+$0x0]  }
0x18d: {  	s30 =	sand.u32 $0x380, s26;
	v8 =	vld [tilespmem:s4+$0x1F]  }
0x18e: {  	s25 =	sadd.s32 s30, s10;
	s0 =	sand.u32 $0x40, s26;
	v13 =	vld [tilespmem:s4+$0xFFFFFFEF];
	v5 =	vadd.f32 v5, v4  }
0x18f: {  	s0 =	sadd.s32 s0, s25;
	v7 =	vld.idx.msk [tilespmem:v7+s19+$0x0], $0xffff;
	v6 =	vadd.f32 v11, v6  }
0x190: {  	v4 =	vmax.f32 v5, v10;
	v5 =	vmin.f32 v5, v10;
	v10 =	vld [tilespmem:s0+$0x20]  }
0x191: {  	s31 =	simm.s32 $0x50;
	v19 =	vmax.f32 v6, v12;
	v6 =	vmin.f32 v6, v12;
	v5 =	vsub.f32 v5, v4  }
0x192: {  	s28 =	simm.s32 $0x80;
	s26 =	sand.u32 $0x50, s31;
	v14 =	vld [tilespmem:s4+$0xFFFFFFF0];
	v6 =	vsub.f32 v6, v19  }
0x193: {  	s25 =	sadd.s32 s26, s25;
	v15 =	vld [tilespmem:s4+$0x20];
	s26 =	sand.u32 $0x380, s28;
	v5 =	vmul.f32 $1.442695020e+00, v5  }
0x194: {  	s30 =	sand.u32 $0x40, s28;
	s4 =	sadd.s32 s26, s10;
	v11 =	vld [tilespmem:s25+$0x0];
	v8 =	vadd.f32 v8, v9;
	v9 =	vmul.f32 $1.442695020e+00, v6  }
0x195: {  	s25 =	sadd.s32 s30, s4;
	v12 =	vld [tilespmem:s0+$0x30];
	(erf) = vpow2.f32 v5;
	v5 =	vadd.f32 v13, v7;
	v10 =	vadd.s32 v3, v10  }
0x196: {  	v22 =	vld [tilespmem:s25+$0x20]  }
0x197: {  	v13 =	vld [tilespmem:s0+$0x0];
	s0 =	simm.s32 $0xFD60;
	(erf) = vpow2.f32 v9;
	v6 =	vmax.f32 v5, v14;
	v5 =	vmin.f32 v5, v14  }
0x198: {  	v7 =	vmax.f32 v8, v15;
	v8 =	vmin.f32 v8, v15;
	v15 =	vld [tilespmem:s0+$0xFFFFFFFF];
	v5 =	vsub.f32 v5, v6  }
0x199: {  	v11 =	vadd.s32 v3, v11;
	v8 =	vsub.f32 v8, v7;
	v16 =	vld [tilespmem:s0+$0x0]  }
0x19a: {  	v12 =	vadd.s32 v3, v12;
	v9 =	vld.idx.msk [tilespmem:v10+s19+$0x0], $0xffff;
	v5 =	vmul.f32 $1.442695020e+00, v5  }
0x19b: {  	v8 =	vmul.f32 $1.442695020e+00, v8;
	v10 =	vld [tilespmem:s0+$0xF]  }
0x19c: {  	v14 =	vld [tilespmem:s0+$0x1F];
	v13 =	vadd.s32 v3, v13;
	(erf) = vpow2.f32 v5  }
0x19d: {  	(erf) = vpow2.f32 v8;
	v8 =	vld [tilespmem:s0+$0x10]  }
0x19e: {  	v11 =	vld.idx.msk [tilespmem:v11+s19+$0x0], $0xffff  }
0x19f: {  	v12 =	vld.idx.msk [tilespmem:v12+s19+$0x0], $0xffff;
	v25 =	vpop (erf)  }
0x1a0: {  	v18 =	vld [tilespmem:s0+$0xFFFFFFEF];
	v5 =	vmul.f32 $4.154804720e-02, v25;
	v9 =	vadd.f32 v10, v9;
	v21 =	vpop (erf)  }
0x1a1: {  	v13 =	vld.idx.msk [tilespmem:v13+s19+$0x0], $0xffff;
	v20 =	vmul.f32 $4.154804720e-02, v21  }
0x1a2: {  	v10 =	vadd.f32 $-1.578321310e-01, v5;
	v5 =	vmax.f32 v9, v8;
	v8 =	vmin.f32 v9, v8  }
0x1a3: {  	v23 =	vld [tilespmem:s25+$0x30];
	v15 =	vadd.f32 v15, v11;
	v8 =	vsub.f32 v8, v5  }
0x1a4: {  	s31 =	simm.s32 $0x90;
	v14 =	vadd.f32 v14, v12;
	v20 =	vadd.f32 $-1.578321310e-01, v20;
	v9 =	vmul.f32 v10, v25  }
0x1a5: {  	s26 =	sand.u32 $0x50, s31;
	v17 =	vld [tilespmem:s0+$0x20];
	v10 =	vmax.f32 v15, v16;
	v15 =	vmin.f32 v15, v16;
	v8 =	vmul.f32 $1.442695020e+00, v8  }
0x1a6: {  	s4 =	sadd.s32 s26, s4;
	v61 =	vld [tilespmem:s0+$0xFFFFFFF0];
	v15 =	vsub.f32 v15, v10;
	v13 =	vadd.f32 v18, v13;
	v18 =	vadd.s32 v3, v22;
	v11 =	vpop (erf)  }
0x1a7: {  	v27 =	vld [tilespmem:s4+$0x0];
	v9 =	vadd.f32 $3.065569100e-01, v9;
	v12 =	vpop (erf);
	v24 =	vmul.f32 $4.154804720e-02, v11;
	(erf) = vpow2.f32 v8  }
0x1a8: {  	v16 =	vld [tilespmem:s25+$0x0];
	v22 =	vadd.s32 v3, v23;
	v26 =	vmul.f32 $4.154804720e-02, v12;
	v8 =	vmul.f32 v20, v21  }
0x1a9: {  	v15 =	vmul.f32 $1.442695020e+00, v15;
	v60 =	vmul.f32 v9, v25;
	v9 =	vadd.f32 $-1.578321310e-01, v24  }
0x1aa: {  	v20 =	vadd.f32 $-1.578321310e-01, v26;
	v23 =	vadd.f32 $3.065569100e-01, v8;
	v8 =	vmax.f32 v14, v17  }
0x1ab: {  	v24 =	vmul.f32 v9, v11;
	v9 =	vmax.f32 v13, v61;
	v13 =	vmin.f32 v13, v61  }
0x1ac: {  	v17 =	vmin.f32 v14, v17;
	v23 =	vmul.f32 v23, v21;
	v13 =	vsub.f32 v13, v9  }
0x1ad: {  	v14 =	vadd.s32 v3, v16;
	v16 =	vadd.s32 v3, v27;
	v17 =	vsub.f32 v17, v8  }
0x1ae: {  	(erf) = vpow2.f32 v15;
	v22 =	vld.idx.msk [tilespmem:v22+s19+$0x0], $0xffff;
	v15 =	vadd.f32 $-4.970298110e-01, v23  }
0x1af: {  	s29 =	simm.s32 $0xFDA0;
	v26 =	vmul.f32 v20, v12;
	v20 =	vld.idx.msk [tilespmem:v18+s19+$0x0], $0xffff;
	v17 =	vmul.f32 $1.442695020e+00, v17;
	v24 =	vadd.f32 $3.065569100e-01, v24  }
0x1b0: {  	v28 =	vadd.f32 $-4.970298110e-01, v60;
	v23 =	vld [tilespmem:s29+$0x1F];
	v27 =	vmul.f32 $1.442695020e+00, v13;
	v15 =	vmul.f32 v15, v21;
	v13 =	vpop (erf)  }
0x1b1: {  	v30 =	vadd.f32 $3.065569100e-01, v26;
	v26 =	vld [tilespmem:s29+$0xF];
	v24 =	vmul.f32 v24, v11;
	v62 =	vmul.f32 $4.154804720e-02, v13  }
0x1b2: {  	v18 =	vld.idx.msk [tilespmem:v16+s19+$0x0], $0xffff;
	v16 =	vmul.f32 v28, v25;
	(erf) = vpow2.f32 v27;
	v15 =	vadd.f32 $9.999449250e-01, v15  }
0x1b3: {  	(erf) = vpow2.f32 v17;
	v17 =	vadd.f32 $-4.970298110e-01, v24;
	v24 =	vld [tilespmem:s29+$0xFFFFFFFF];
	v27 =	vadd.f32 $-1.578321310e-01, v62  }
0x1b4: {  	v63 =	vmul.f32 v30, v12;
	v28 =	vadd.f32 $9.999449250e-01, v16;
	v15 =	vmul.f32 v15, v21;
	v21 =	vld [tilespmem:s29+$0x10]  }
0x1b5: {  	v16 =	vadd.f32 v23, v22;
	v17 =	vmul.f32 v17, v11;
	v23 =	vmul.f32 v27, v13  }
0x1b6: {  	s26 =	simm.s32 $0xF8A0;
	s25 =	simm.s32 $0xF8A0;
	v22 =	vld [tilespmem:s29+$0x0];
	v15 =	vadd.f32 v15, v19;
	v19 =	vmul.f32 v28, v25;
	v25 =	vadd.f32 $-4.970298110e-01, v63  }
.LBB2_7:
0x1b7: {  	v20 =	vadd.f32 v26, v20;
	v23 =	vadd.f32 $3.065569100e-01, v23;
	v27 =	vpop (erf);
	s25 =	sadd.s32 $0x40, s25;
	s0 =	smov.u32 s28;
	s28 =	sadd.s32 $0x40, s28  }
0x1b8: {  	s4 =	sand.u32 $0x380, s28;
	s0 =	sadd.s32 $0x50, s0;
	p3 =	slt.u32 s28, $0x3C0;
	v18 =	vadd.f32 v24, v18;
	v24 =	vld [tilespmem:s29+$0x20];
	v26 =	vmul.f32 $4.154804720e-02, v27;
	[tilespmem:s26+$0x0] =	vst v15;
	v15 =	vmul.f32 v25, v12  }
0x1b9: {  	s30 =	sand.u32 $0x40, s28;
	v19 =	vadd.f32 v19, v4;
	v4 =	vmovc v5;
	s4 =	sadd.s32 s4, s10;
	s0 =	sand.u32 $0x50, s0;
	v25 =	vld [tilespmem:s29+$0xFFFFFFEF];
	v28 =	vmin.f32 v20, v21;
	v5 =	vmax.f32 v20, v21  }
0x1ba: {  	v21 =	vmul.f32 v23, v13;
	s30 =	sadd.s32 s30, s4;
	s0 =	sadd.s32 s0, s4;
	v14 =	vld.idx.msk [tilespmem:v14+s19+$0x0], $0xffff;
	v20 =	vsub.f32 v28, v5;
	v15 =	vadd.f32 $9.999449250e-01, v15  }
0x1bb: {  	v17 =	vadd.f32 $9.999449250e-01, v17;
	v23 =	vld [tilespmem:s30+$0x20];
	v28 =	vmax.f32 v18, v22;
	v18 =	vmin.f32 v18, v22;
	v22 =	vpop (erf);
	[tilespmem:s26+$0x10] =	vst v19  }
0x1bc: {  	v19 =	vld [tilespmem:s30+$0x30];
	v18 =	vsub.f32 v18, v28;
	v20 =	vmul.f32 $1.442695020e+00, v20;
	v15 =	vmul.f32 v15, v12;
	v12 =	vpop (erf)  }
0x1bd: {  	v26 =	vadd.f32 $-1.578321310e-01, v26;
	v30 =	vmul.f32 $4.154804720e-02, v22;
	v29 =	vld [tilespmem:s30+$0x0];
	v31 =	vmul.f32 $4.154804720e-02, v12  }
0x1be: {  	v17 =	vmul.f32 v17, v11;
	v11 =	vmovc v22;
	v32 =	vld [tilespmem:s0+$0x0];
	(erf) = vpow2.f32 v20;
	v15 =	vadd.f32 v15, v7;
	v7 =	vmovc v8  }
0x1bf: {  	v22 =	vadd.f32 $-1.578321310e-01, v30;
	v8 =	vmul.f32 v26, v27;
	v20 =	vld [tilespmem:s29+$0xFFFFFFF0];
	v26 =	vadd.f32 $-1.578321310e-01, v31  }
0x1c0: {  	v18 =	vmul.f32 $1.442695020e+00, v18;
	v25 =	vadd.f32 v25, v14;
	v14 =	vadd.f32 v17, v6;
	v6 =	vmovc v9  }
0x1c1: {  	v17 =	vadd.s32 v3, v23;
	v9 =	vadd.f32 $3.065569100e-01, v8;
	v19 =	vadd.s32 v3, v19;
	[tilespmem:s26+$0x20] =	vst v15  }
0x1c2: {  	v8 =	vmax.f32 v16, v24;
	v15 =	vmin.f32 v16, v24;
	v16 =	vmul.f32 v22, v11;
	[tilespmem:s26+$0xFFFFFFF0] =	vst v14;
	s26 =	smov.u32 s25  }
0x1c3: {  	v14 =	vadd.s32 v3, v29;
	v23 =	vmul.f32 v9, v27;
	v22 =	vadd.s32 v3, v32  }
0x1c4: {  	s29 =	sadd.s32 $0x40, s29;
	v15 =	vsub.f32 v15, v8;
	v9 =	vmax.f32 v25, v20;
	v20 =	vmin.f32 v25, v20  }
0x1c5: {  	v25 =	vld [tilespmem:s29+$0x1F];
	v24 =	vsub.f32 v20, v9;
	(erf) = vpow2.f32 v18;
	v18 =	vadd.f32 $-4.970298110e-01, v23  }
0x1c6: {  	v16 =	vadd.f32 $3.065569100e-01, v16;
	v15 =	vmul.f32 $1.442695020e+00, v15;
	v23 =	vmul.f32 v26, v12;
	v19 =	vld.idx.msk [tilespmem:v19+s19+$0x0], $0xffff  }
0x1c7: {  	v21 =	vadd.f32 $-4.970298110e-01, v21;
	v20 =	vld.idx.msk [tilespmem:v17+s19+$0x0], $0xffff;
	v17 =	vmul.f32 $1.442695020e+00, v24;
	v29 =	vpop (erf);
	v24 =	vmul.f32 v18, v27  }
0x1c8: {  	v16 =	vmul.f32 v16, v11;
	v23 =	vadd.f32 $3.065569100e-01, v23;
	v18 =	vld.idx.msk [tilespmem:v22+s19+$0x0], $0xffff;
	v22 =	vmul.f32 $4.154804720e-02, v29  }
.Ltmp2:
0x1c9: {  	v30 =	vmul.f32 v21, v13;
	v26 =	vld [tilespmem:s29+$0xF];
	(erf) = vpow2.f32 v17;
	v17 =	vadd.f32 $9.999449250e-01, v24;
	(pc) =	sbr.rel @p3 .LBB2_7-.Ltmp2, $4  }
0x1ca: {  	v24 =	vld [tilespmem:s29+$0xFFFFFFFF];
	v22 =	vadd.f32 $-1.578321310e-01, v22;
	(erf) = vpow2.f32 v15;
	v15 =	vadd.f32 $-4.970298110e-01, v16  }
0x1cb: {  	v30 =	vadd.f32 $9.999449250e-01, v30;
	v31 =	vmul.f32 v23, v12;
	v21 =	vld [tilespmem:s29+$0x10];
	v27 =	vmul.f32 v17, v27  }
0x1cc: {  	v16 =	vadd.f32 v25, v19;
	v23 =	vmul.f32 v22, v29;
	v17 =	vmul.f32 v15, v11  }
0x1cd: {  	v19 =	vmul.f32 v30, v13;
	v25 =	vadd.f32 $-4.970298110e-01, v31;
	v13 =	vmovc v29;
	v22 =	vld [tilespmem:s29+$0x0];
	v15 =	vadd.f32 v27, v10;
	v10 =	vmovc v28  }
0x1ce: {  	_ =	sdelay $0x2  }
0x1cf: {  	v27 =	vld [tilespmem:s29+$0xFFFFFFEF]  }
0x1d0: {  	v14 =	vld.idx.msk [tilespmem:v14+s19+$0x0], $0xffff  }
0x1d1: {  	v28 =	vld [tilespmem:s29+$0x20];
	v20 =	vadd.f32 v26, v20  }
0x1d2: {  	v50 =	vld [tilespmem:s29+$0xFFFFFFF0]  }
0x1d3: {  	v49 =	vpop (erf);
	v18 =	vadd.f32 v24, v18;
	v30 =	vmax.f32 v20, v21;
	v20 =	vmin.f32 v20, v21  }
0x1d4: {  	v57 =	vadd.f32 $3.065569100e-01, v23;
	v29 =	vmul.f32 $4.154804720e-02, v49;
	v20 =	vsub.f32 v20, v30  }
0x1d5: {  	v21 =	vmax.f32 v18, v22;
	v18 =	vmin.f32 v18, v22;
	v14 =	vadd.f32 v27, v14  }
0x1d6: {  	v59 =	vmul.f32 v57, v13;
	v51 =	vadd.f32 $-1.578321310e-01, v29;
	v18 =	vsub.f32 v18, v21  }
0x1d7: {  	v24 =	vmax.f32 v16, v28;
	v27 =	vmax.f32 v14, v50;
	v14 =	vmin.f32 v14, v50  }
0x1d8: {  	v52 =	vmin.f32 v16, v28;
	v20 =	vmul.f32 $1.442695020e+00, v20;
	v14 =	vsub.f32 v14, v27  }
0x1d9: {  	v22 =	vmul.f32 v51, v49;
	v16 =	vsub.f32 v52, v24;
	v18 =	vmul.f32 $1.442695020e+00, v18  }
0x1da: {  	(erf) = vpow2.f32 v20;
	v14 =	vmul.f32 $1.442695020e+00, v14  }
0x1db: {  	v17 =	vadd.f32 $9.999449250e-01, v17;
	v16 =	vmul.f32 $1.442695020e+00, v16;
	(erf) = vpow2.f32 v18  }
0x1dc: {  	v54 =	vmul.f32 v25, v12;
	v25 =	vadd.f32 $-4.970298110e-01, v59;
	(erf) = vpow2.f32 v14  }
0x1dd: {  	v11 =	vmul.f32 v17, v11;
	v56 =	vpop (erf);
	v53 =	vadd.f32 $3.065569100e-01, v22;
	(erf) = vpow2.f32 v16  }
0x1de: {  	v58 =	vmul.f32 $4.154804720e-02, v56;
	v32 =	vmul.f32 v25, v13  }
0x1df: {  	v6 =	vadd.f32 v11, v6;
	v60 =	vpop (erf);
	v55 =	vmul.f32 v53, v49  }
0x1e0: {  	v63 =	vmul.f32 $4.154804720e-02, v60;
	v62 =	vadd.f32 $-1.578321310e-01, v58;
	v11 =	vadd.f32 $9.999449250e-01, v32  }
0x1e1: {  	v18 =	vadd.f32 $9.999449250e-01, v54;
	v14 =	vadd.f32 $-4.970298110e-01, v55  }
0x1e2: {  	v31 =	vadd.f32 $-1.578321310e-01, v63;
	v29 =	vmul.f32 v62, v56;
	v11 =	vmul.f32 v11, v13  }
0x1e3: {  	v4 =	vadd.f32 v19, v4;
	v61 =	vmul.f32 v18, v12;
	v14 =	vmul.f32 v14, v49;
	v28 =	vpop (erf)  }
0x1e4: {  	v12 =	vadd.f32 $3.065569100e-01, v29;
	v18 =	vmul.f32 v31, v60;
	v36 =	vmul.f32 $4.154804720e-02, v28;
	v33 =	vpop (erf)  }
0x1e5: {  	v5 =	vadd.f32 v11, v5;
	v14 =	vadd.f32 $9.999449250e-01, v14;
	v34 =	vmul.f32 $4.154804720e-02, v33;
	v35 =	vpop (erf)  }
0x1e6: {  	v7 =	vadd.f32 v61, v7;
	v25 =	vadd.f32 $-1.578321310e-01, v36;
	v37 =	vpop (erf);
	v40 =	vmul.f32 $4.154804720e-02, v35  }
0x1e7: {  	v14 =	vmul.f32 v14, v49;
	v38 =	vadd.f32 $-1.578321310e-01, v34;
	v39 =	vmul.f32 $4.154804720e-02, v37  }
0x1e8: {  	v18 =	vadd.f32 $3.065569100e-01, v18;
	v25 =	vmul.f32 v25, v28;
	v13 =	vadd.f32 $-1.578321310e-01, v40  }
0x1e9: {  	v10 =	vadd.f32 v14, v10;
	v14 =	vmul.f32 v38, v33;
	v22 =	vadd.f32 $-1.578321310e-01, v39  }
0x1ea: {  	v12 =	vmul.f32 v12, v56;
	v25 =	vadd.f32 $3.065569100e-01, v25;
	v13 =	vmul.f32 v13, v35  }
0x1eb: {  	v18 =	vmul.f32 v18, v60;
	v14 =	vadd.f32 $3.065569100e-01, v14;
	v22 =	vmul.f32 v22, v37  }
0x1ec: {  	v12 =	vadd.f32 $-4.970298110e-01, v12;
	v25 =	vmul.f32 v25, v28;
	v13 =	vadd.f32 $3.065569100e-01, v13  }
0x1ed: {  	v18 =	vadd.f32 $-4.970298110e-01, v18;
	v14 =	vmul.f32 v14, v33;
	v22 =	vadd.f32 $3.065569100e-01, v22  }
0x1ee: {  	v12 =	vmul.f32 v12, v56;
	v41 =	vadd.f32 $-4.970298110e-01, v25;
	v13 =	vmul.f32 v13, v35  }
0x1ef: {  	v18 =	vmul.f32 v18, v60;
	v14 =	vadd.f32 $-4.970298110e-01, v14;
	v22 =	vmul.f32 v22, v37  }
0x1f0: {  	[tilespmem:s26+$0x0] =	vst v15;
	v44 =	vadd.f32 $9.999449250e-01, v12;
	v11 =	vmul.f32 v41, v28;
	v45 =	vadd.f32 $-4.970298110e-01, v13  }
0x1f1: {  	[tilespmem:s26+$0x10] =	vst v4;
	v42 =	vadd.f32 $9.999449250e-01, v18;
	v14 =	vmul.f32 v14, v33;
	v43 =	vadd.f32 $-4.970298110e-01, v22  }
0x1f2: {  	s0 =	sadd.s32 $0x40, s25;
	[tilespmem:s26+$0xFFFFFFF0] =	vst v6;
	v4 =	vmul.f32 v44, v56;
	v49 =	vadd.f32 $9.999449250e-01, v11;
	v50 =	vmul.f32 v45, v35  }
0x1f3: {  	[tilespmem:s0+$0x10] =	vst v5;
	v46 =	vmul.f32 v42, v60;
	v47 =	vadd.f32 $9.999449250e-01, v14;
	v48 =	vmul.f32 v43, v37  }
0x1f4: {  	[tilespmem:s26+$0x20] =	vst v7;
	v4 =	vadd.f32 v4, v9;
	v53 =	vmul.f32 v49, v28;
	v54 =	vadd.f32 $9.999449250e-01, v50  }
0x1f5: {  	[tilespmem:s0+$0x0] =	vst v10;
	v7 =	vadd.f32 v46, v8;
	v51 =	vmul.f32 v47, v33;
	v52 =	vadd.f32 $9.999449250e-01, v48  }
0x1f6: {  	[tilespmem:s0+$0xFFFFFFF0] =	vst v4;
	v57 =	vadd.f32 v53, v30;
	v58 =	vmul.f32 v54, v35  }
0x1f7: {  	s4 =	sadd.s32 $0x40, s0;
	[tilespmem:s0+$0x20] =	vst v7;
	v55 =	vadd.f32 v51, v21;
	v56 =	vmul.f32 v52, v37  }
0x1f8: {  	[tilespmem:s4+$0x10] =	vst v57;
	v60 =	vadd.f32 v58, v27  }
0x1f9: {  	[tilespmem:s4+$0x0] =	vst v55;
	v59 =	vadd.f32 v56, v24  }
0x1fa: {  	[tilespmem:s4+$0xFFFFFFF0] =	vst v60  }
0x1fb: {  	[tilespmem:s4+$0x20] =	vst v59  }
0x1fc: {  	v4 =	vld [tilespmem:s8+$0xF400];
	_ =	sdelay $0x4  }
0x1fd: {  	v3 =	vadd.s32 v3, v4;
	_ =	sdelay $0x3  }
0x1fe: {  	v61 =	vld [tilespmem:$0x1010F]  }
0x1ff: {  	v3 =	vld.idx.msk [tilespmem:v3+s19+$0x0], $0xffff;
	_ =	sdelay $0x1  }
0x200: {  	v62 =	vld [tilespmem:$0x10110];
	_ =	sdelay $0x2  }
0x201: {  	v3 =	vadd.f32 v61, v3;
	_ =	sdelay $0x1  }
0x202: {  	v4 =	vmax.f32 v3, v62;
	v3 =	vmin.f32 v3, v62  }
0x203: {  	v3 =	vsub.f32 v3, v4;
	_ =	sdelay $0x1  }
0x204: {  	v3 =	vmul.f32 $1.442695020e+00, v3;
	_ =	sdelay $0x1  }
0x205: {  	(erf) = vpow2.f32 v3;
	_ =	sdelay $0x8  }
0x206: {  	v3 =	vpop (erf)  }
0x207: {  	v63 =	vmul.f32 $4.154804720e-02, v3;
	_ =	sdelay $0x1  }
0x208: {  	v5 =	vadd.f32 $-1.578321310e-01, v63;
	_ =	sdelay $0x1  }
0x209: {  	v5 =	vmul.f32 v5, v3;
	_ =	sdelay $0x1  }
0x20a: {  	v5 =	vadd.f32 $3.065569100e-01, v5;
	_ =	sdelay $0x1  }
0x20b: {  	v5 =	vmul.f32 v5, v3;
	_ =	sdelay $0x1  }
0x20c: {  	v5 =	vadd.f32 $-4.970298110e-01, v5;
	_ =	sdelay $0x1  }
0x20d: {  	v5 =	vmul.f32 v5, v3;
	_ =	sdelay $0x1  }
0x20e: {  	s24 =	sadd.s32 $0x1, s24;
	v5 =	vadd.f32 $9.999449250e-01, v5  }
0x20f: {  	p3 =	sne.s32 s24, $0x800  }
.Ltmp3:
0x210: {  	v3 =	vmul.f32 v5, v3;
	(pc) =	sbr.rel @p3 .LBB2_4-.Ltmp3, $3  }
0x211: {  	_ = 	snop  }
0x212: {  	v3 =	vadd.f32 v3, v4;
	_ =	sdelay $0x1  }
0x213: {  	[tilespmem:$0xFC90] =	vst v3  }
0x214: {  	_ =	sdelay $0x3  }
0x215: {  	v3 =	vld.idx.msk [tilespmem:v0+s18+$0x0], $0xffff;
	_ =	sdelay $0x4  }
0x216: {  	v4 =	vxor.u32 $0x80000000, v3  }
0x217: {  	(xrf0) =	vmax.scan.msk.u32 $0xffff, v4;
	_ =	sdelay $0x5  }
0x218: {  	v4, _, _ =	vpop (xrf0)  }
0x219: {  	(v2sf) =	vpush v4, $0xF;
	_ =	sdelay $0xe  }
0x21a: {  	s0 =	spop (v2sf)  }
0x21b: {  	s0 =	sxor.u32 $0x80000000, s0  }
0x21c: {  	p3 =	slt.s32 s0, $0x410;
	p4 =	sgt.s32 s0, $0x40F  }
0x21d: {  	p3 =	por !p2, !p3;
	p4 =	por !p4, !p0  }
0x21e: {  	p3 =	por !p3, !p3;
	p4 =	por !p4, !p4  }
0x21f: {  	p3 =	por p3, p4  }
0x220: {  	v3 =	vsub.s32 @p3 v3, v1  }
0x221: {  	vm1 =	vgt.s32 @p3 v3, $0x0  }
0x222: {  	v3 =	vnsel @p3 vm1, $0x0, v3  }
0x223: {  	v3 =	vmin.u32 @p3 v3, $0x40F  }
0x224: {  	v3 =	vadd.s32 @p3 $0x10, v3;
	_ =	sdelay $0x4  }
0x225: {  	v3 =	vld.idx.msk @p3 [tilespmem:v3+s20+$0x0], $0xffff;
	_ =	sdelay $0x4  }
0x226: {  	v3 =	vadd.f32 @p3 s23, v3;
	_ =	sdelay $0x1  }
0x227: {  	v3 =	vmul.f32 @p3 $-2.441406250e-04, v3;
	_ =	sdelay $0x1  }
0x228: {  	[tilespmem:$0x10200] =	vst @p3 v3  }
0x229: {  	[hbm4b:s11+s3] =	stream.linear.scatter @p3 [tilespmem:s21], [sflag:$0x1], $0x80, $0x38;
	[tilespmem:$0x102A0] =	vst v63  }
0x22a: {  	_ =	swait.ge @p3 [sflag:s15], $0x80  }
0x22b: {  	s22 =	sadd.s32 $0x1, s22;
	[sflag:s15] =	ssyncset.done @p3 $0x0  }
0x22c: {  	[sflag:s15] =	ssyncadd.s32 @p3 $0xFFFFFF80;
	p3 =	sne.s32 s22, s12  }
.Ltmp4:
0x22d: {  	_ = 	snop;
	(pc) =	sbr.rel @p3 .LBB2_1-.Ltmp4, $1  }
0x22e: {  	_ =	sdelay $0x3  }
0x22f: {  	_ =	sfence.sel $0x180000  }
0x230: {  	[bflag:$0x0] =	sbarrier.arrive $0xFFFF  }
0x231: {  	_ =	strace $0x90000047  }
0x232: {  	s0 =	stileid.u32;
	[bflag:$0x2] =	sbarrier.arrive $0xFFFF  }
0x233: {  	p0 =	sne.s32 s0, $0x0;
	s0 =	rddreg [dreg:$0x6]  }
0x234: {  	s0 =	sadd.s32 @!p0 $0x100000, s0  }
0x235: {  	[sflag:s0] =	ssyncadd.tile.s32 @!p0 $0x1;
	_ =	shalt  }
.Lfunc_end2:
_tile_overlayer_lowered:
.L_overlay_start_2:
0x236: {  	(tag) =	ssettag $0x2  }
0x237: {  	s0 =	rddreg [dreg:$0x0];
	s2 =	stileid.u32  }
0x238: {  	s1 =	rddreg [dreg:$0x1];
	p0 =	sne.s32 s2, $0x0  }
0x239: {  	s3 =	rddreg [dreg:$0x2];
	[bflag:$0x3] =	sbarrier.arrive $0xFFFF;
	s2 =	simm.s32 @!p0 $0x1C01  }
0x23a: {  	[timem:s3], [sflag:s2] =	dma.local @!p0 [hbm:s0], s1  }
0x23b: {  	s0 =	simm.s32 @!p0 $0x1  }
0x23c: {  	_ =	swait.ge @!p0 [sflag:s0], s1  }
0x23d: {  	s1 =	ssub.s32 @!p0 $0x0, s1;
	[sflag:s0] =	ssyncset.done @!p0 $0x0  }
0x23e: {  	[sflag:s0] =	ssyncadd.s32 @!p0 s1  }
0x23f: {  	[bflag:$0x3] =	sbarrier.arrive $0xFFFF  }
0x240: {  	_ =	shalt  }

</sc_bundles>
